<compile_context>
chip_gen: v7x
topology: tpu7x:2x2x1
jax: 0.10.2.dev20260603
libtpu: 0.0.44.dev20260713+nightly
codegen_flags: <defaults>
</compile_context>

<pallas_src>
import functools
import math

import jax
import jax.numpy as jnp
from jax import lax
from jax.experimental import pallas as pl
from jax.experimental.pallas import tpu as pltpu
from jax.experimental.pallas import tpu_sc as plsc

_SCALE_FACTOR = 2
_SIGMA = 2.0

_NC = 2
_NS = 16
_NW = _NC * _NS
_L = 16




def _prep_body(x_ref, loct_ref, scale_ref, idx_ref, xt_ref):
    n, c = x_ref.shape[1], x_ref.shape[2]
    xb = x_ref[0]
    eye = (lax.broadcasted_iota(jnp.int32, (c, c), 0)
           == lax.broadcasted_iota(jnp.int32, (c, c), 1)).astype(jnp.float32)
    xt = lax.dot_general(eye, xb, (((1,), (1,)), ((), ())),
                         precision=lax.Precision.HIGHEST,
                         preferred_element_type=jnp.float32)
    xt_ref[0] = jnp.concatenate(
        [xt, jnp.ones((1, n), jnp.float32)], axis=0)

    l = jnp.clip(loct_ref[0], -1.0, 1.0)
    s = scale_ref[...]
    pix = 0.5 * (l + 1.0) * s - 0.5
    ri = jnp.round(pix).astype(jnp.int32)
    ri = jnp.clip(ri, 0, s.astype(jnp.int32) - 1)
    wv = jnp.concatenate(
        [jnp.ones((1, 1), jnp.int32), s.astype(jnp.int32)[0:1, :]], axis=0)
    idx_ref[0, 0] = jnp.sum(ri * wv, axis=0)


def _prep(x, loct, scale):
    b, n, c = x.shape
    return pl.pallas_call(
        _prep_body,
        grid=(b,),
        in_specs=[
            pl.BlockSpec((1, n, c), lambda i: (i, 0, 0)),
            pl.BlockSpec((1, 2, n), lambda i: (i, 0, 0)),
            pl.BlockSpec((2, 1), lambda i: (0, 0)),
        ],
        out_specs=[
            pl.BlockSpec((1, 1, n), lambda i: (i, 0, 0)),
            pl.BlockSpec((1, c + 1, n), lambda i: (i, 0, 0)),
        ],
        out_shape=[
            jax.ShapeDtypeStruct((b, 1, n), jnp.int32),
            jax.ShapeDtypeStruct((b, c + 1, n), jnp.float32),
        ],
    )(x, loct, scale)




def _scatter_sc(xt, idx3, hs):
    b, c1, n = xt.shape
    pairs = b * c1
    iters = (pairs + _NW - 1) // _NW
    groups = n // _L
    sh = hs.bit_length() - 1
    mesh = plsc.VectorSubcoreMesh(core_axis_name="c", subcore_axis_name="s")

    @functools.partial(
        pl.kernel,
        mesh=mesh,
        compiler_params=pltpu.CompilerParams(needs_layout_passes=False),
        out_type=jax.ShapeDtypeStruct((b, c1, hs, hs), jnp.float32),
        scratch_types=[
            pltpu.VMEM((n,), jnp.int32),
            pltpu.VMEM((n,), jnp.float32),
            pltpu.VMEM((hs, hs), jnp.float32),
            pltpu.SemaphoreType.DMA,
            pltpu.SemaphoreType.DMA,
            pltpu.SemaphoreType.DMA,
            pltpu.SemaphoreType.DMA,
            pltpu.SemaphoreType.DMA,
            pltpu.SemaphoreType.DMA,
        ],
    )
    def scatter_kernel(xt_hbm, idx_hbm, out_hbm, idx_v, val_v, acc_v,
                       sem_i, sem_v, so0, so1, so2, so3):
        wid = lax.axis_index("s") * _NC + lax.axis_index("c")
        sems_o = (so0, so1, so2, so3)
        nch = len(sems_o)
        rows = hs // nch
        zero = jnp.zeros((_L,), jnp.float32)

        def zero_rows(r0, nr):
            def zb(z, _):
                for u in range(hs // _L):
                    acc_v[z, pl.ds(u * _L, _L)] = zero
                return ()
            lax.fori_loop(r0, r0 + nr, zb, ())

        def issue_in(p):
            bb = lax.div(p, c1)
            cc = lax.rem(p, c1)
            pltpu.async_copy(idx_hbm.at[bb, 0], idx_v, sem_i)
            pltpu.async_copy(xt_hbm.at[bb, cc], val_v, sem_v)

        issue_in(wid)
        zero_rows(0, hs)

        def pair_body(k, _):
            p = k * _NW + wid

            @pl.when(p < pairs)
            def _():
                bb = lax.div(p, c1)
                cc = lax.rem(p, c1)
                pltpu.make_async_copy(idx_hbm.at[bb, 0], idx_v, sem_i).wait()
                pltpu.make_async_copy(xt_hbm.at[bb, cc], val_v, sem_v).wait()

                def scat_body(g, _):
                    base = g * (4 * _L)
                    for u in range(4):
                        o = base + u * _L
                        iv = idx_v[pl.ds(o, _L)]
                        vv = val_v[pl.ds(o, _L)]
                        plsc.addupdate_scatter(
                            acc_v,
                            [lax.shift_right_logical(iv, sh),
                             lax.bitwise_and(iv, hs - 1)],
                            vv)
                    return ()

                lax.fori_loop(0, groups // 4, scat_body, ())

                @pl.when(p + _NW < pairs)
                def _():
                    issue_in(p + _NW)

                for i in range(nch):
                    pltpu.async_copy(
                        acc_v.at[pl.ds(i * rows, rows)],
                        out_hbm.at[bb, cc, pl.ds(i * rows, rows)],
                        sems_o[i])
                for i in range(nch):
                    pltpu.make_async_copy(
                        acc_v.at[pl.ds(i * rows, rows)],
                        out_hbm.at[bb, cc, pl.ds(i * rows, rows)],
                        sems_o[i]).wait()
                    zero_rows(i * rows, rows)

            return ()

        lax.fori_loop(0, iters, pair_body, ())

    return scatter_kernel(xt, idx3)




def _sep3(t, w0, w1, mw):
    p = jnp.pad(t, ((0, 0), (1, 1), (0, 0)))
    t = w0 * p[:, :-2, :] + w1 * p[:, 1:-1, :] + w0 * p[:, 2:, :]
    return lax.dot_general(t, mw, (((2,), (0,)), ((), ())),
                           precision=lax.Precision.HIGHEST,
                           preferred_element_type=jnp.float32)


def _finish_body(f_ref, m_ref, o_ref, *, w0, w1):
    ws = m_ref.shape[3]
    d = (lax.broadcasted_iota(jnp.int32, (ws, ws), 0)
         - lax.broadcasted_iota(jnp.int32, (ws, ws), 1))
    mw = (w1 * (d == 0).astype(jnp.float32)
          + w0 * (jnp.abs(d) == 1).astype(jnp.float32))
    cnt = m_ref[0, 0]
    mask = (cnt > 0).astype(jnp.float32)
    rcp = mask / (cnt + 1e-6)
    feat = f_ref[0] * rcp[None]
    cf = _sep3(feat, w0, w1, mw)
    cm = _sep3(mask[None], w0, w1, mw)
    mrcp = (cm > 0).astype(jnp.float32) / (cm + 1e-6)
    o_ref[0] = feat + (1.0 - mask)[None] * (cf * mrcp)


def _finish(accum4):
    b, c1, hs, ws = accum4.shape
    c = c1 - 1
    cch = 12
    a = math.exp(-1.0 / (2.0 * _SIGMA * _SIGMA))
    w1 = 1.0 / (2.0 * a + 1.0)
    w0 = a * w1
    return pl.pallas_call(
        functools.partial(_finish_body, w0=w0, w1=w1),
        grid=(b, c // cch),
        in_specs=[
            pl.BlockSpec((1, cch, hs, ws), lambda i, j: (i, j, 0, 0)),
            pl.BlockSpec((1, 1, hs, ws), lambda i, j: (i, c, 0, 0)),
        ],
        out_specs=pl.BlockSpec((1, cch, hs, ws), lambda i, j: (i, j, 0, 0)),
        out_shape=jax.ShapeDtypeStruct((b, c, hs, ws), jnp.float32),
    )(accum4, accum4)




def kernel(x, loc, h, w):
    b, n, c = x.shape
    hs = math.isqrt(n) * _SCALE_FACTOR
    scale = jnp.stack([jnp.asarray(w, jnp.float32) * _SCALE_FACTOR,
                       jnp.asarray(h, jnp.float32) * _SCALE_FACTOR]
                      ).reshape(2, 1)
    idx3, xt = _prep(x, jnp.swapaxes(loc, 1, 2), scale)
    accum = _scatter_sc(xt, idx3, hs)
    return _finish(accum)

# --- scband reference (transcript-rebuilt; emitter-appended) ---
"""Pipeline reference for scband-token-inter-neck1-10548439679314 (READ-ONLY COPY).

The authoritative reference and input builder live on the scoring server;
editing this copy changes nothing except your own understanding.
"""

import math
import jax, jax.numpy as jnp
import numpy as np

SCALE_FACTOR = 2
SIGMA = 2


def gaussian_filt(x, kernel_size, sigma):
    # x: [B, C, H, W], depthwise gaussian smoothing
    channels = x.shape[1]
    coord = jnp.arange(kernel_size, dtype=jnp.float32)
    x_grid = jnp.tile(coord, (kernel_size,)).reshape(kernel_size, kernel_size)
    y_grid = x_grid.T
    xy_grid = jnp.stack([x_grid, y_grid], axis=-1)
    mean = (kernel_size - 1) / 2.0
    variance = float(sigma) ** 2.0
    gk = (1.0 / (2.0 * math.pi * variance)) * jnp.exp(
        -jnp.sum((xy_grid - mean) ** 2.0, axis=-1) / (2.0 * variance))
    gk = gk / jnp.sum(gk)
    gk = gk.reshape(1, 1, kernel_size, kernel_size)
    gk = jnp.tile(gk, (channels, 1, 1, 1)).astype(x.dtype)
    padding = int((kernel_size - 1) // 2)
    y = jax.lax.conv_general_dilated(
        x, gk, window_strides=(1, 1),
        padding=[(padding, padding), (padding, padding)],
        dimension_numbers=('NCHW', 'OIHW', 'NCHW'),
        feature_group_count=channels)
    return y


def token2map(x, loc, H, W, Hs, Ws, kernel_size, sigma):
    B, N, C = x.shape
    loc = jnp.clip(loc, -1.0, 1.0)
    loc = 0.5 * (loc + 1.0) * jnp.stack([W, H]).astype(jnp.float32)[None, None, :] - 0.5
    loc_i = jnp.round(loc).astype(jnp.int32)
    loc_x = jnp.clip(loc_i[..., 0], 0, W - 1)
    loc_y = jnp.clip(loc_i[..., 1], 0, H - 1)
    idx = loc_x + loc_y * W
    idx = idx + jnp.arange(B, dtype=jnp.int32)[:, None] * (H * W)
    src = jnp.concatenate([x, jnp.ones((B, N, 1), x.dtype)], axis=-1).reshape(B * N, C + 1)
    out = jnp.zeros((B * Hs * Ws, C + 1), x.dtype).at[idx.reshape(B * N)].add(src)
    out = jnp.transpose(out.reshape(B, Hs, Ws, C + 1), (0, 3, 1, 2))
    feature = out[:, :C, :, :]
    mask = out[:, C:C + 1, :, :]
    feature = feature / (mask + 1e-6)
    mask = (mask > 0).astype(x.dtype)
    feature = feature * mask
    if kernel_size > 1:
        # reconstruct_feature: fill empty locations with gaussian smoothed features
        feature_inter = gaussian_filt(feature * mask, kernel_size, sigma)
        mask_inter = gaussian_filt(mask, kernel_size, sigma)
        feature_inter = feature_inter / (mask_inter + 1e-6)
        mask_inter_bin = (mask_inter > 0).astype(x.dtype)
        feature_inter = feature_inter * mask_inter_bin
        feature = feature + (1.0 - mask) * feature_inter
    return feature


def setup_inputs(seed: int = 0) -> dict:
    key = jax.random.key(seed)
    k1, k2 = jax.random.split(key)
    x = jax.random.normal(k1, (8, 16384, 96), dtype=jnp.float32)
    loc = jax.random.normal(k2, (8, 16384, 2), dtype=jnp.float32)
    return {"x": x, "loc": loc, "h": 128, "w": 128}


def reference(x, loc, h, w):
    H = h * SCALE_FACTOR
    W = w * SCALE_FACTOR
    Hs = math.isqrt(x.shape[1]) * SCALE_FACTOR
    Ws = math.isqrt(x.shape[1]) * SCALE_FACTOR
    return token2map(x, loc, H, W, Hs, Ws, SCALE_FACTOR + 1, SIGMA)

if __name__ == "__main__":
    import jax
    _d = setup_inputs()
    print(jax.jit(kernel)(*tuple(_d.values())))

</pallas_src>

<mosaic_0001>
#map = affine_map<(d0, d1) -> (0, 0, 0)>
#map1 = affine_map<(d0, d1) -> (0, 0, 0, 0)>
module attributes {stable_mosaic.version = 14 : i64} {
  func.func @scatter_kernel(%arg0: i32, %arg1: i32, %arg2: memref<8x97x16384xf32, #tpu.memory_space<hbm>>, %arg3: memref<8x1x16384xi32, #tpu.memory_space<hbm>>, %arg4: memref<8x97x256x256xf32, #tpu.memory_space<hbm>>, %arg5: memref<16384xi32, #tpu.memory_space<vmem>>, %arg6: memref<16384xf32, #tpu.memory_space<vmem>>, %arg7: memref<256x256xf32, #tpu.memory_space<vmem>>, %arg8: memref<!tpu.dma_semaphore, #tpu.memory_space<semaphore_mem>>, %arg9: memref<!tpu.dma_semaphore, #tpu.memory_space<semaphore_mem>>, %arg10: memref<!tpu.dma_semaphore, #tpu.memory_space<semaphore_mem>>, %arg11: memref<!tpu.dma_semaphore, #tpu.memory_space<semaphore_mem>>, %arg12: memref<!tpu.dma_semaphore, #tpu.memory_space<semaphore_mem>>, %arg13: memref<!tpu.dma_semaphore, #tpu.memory_space<semaphore_mem>>) attributes {dimension_semantics = [#tpu.dimension_semantics<core_parallel>, #tpu.dimension_semantics<subcore_parallel>], iteration_bounds = array<i64: 2, 16>, scalar_prefetch = 0 : i64, scratch_operands = 9 : i64, tpu.core_type = #tpu.core_type<sc_vector_subcore>, window_params = [{transform_indices = #map}, {transform_indices = #map}, {transform_indices = #map1}]} {
    %mul3A = arith.constant 2 : i32
    %mul3A_0 = arith.muli %arg1, %mul3A : i32
    %add3A = arith.addi %mul3A_0, %arg0 : i32
    %broadcast_in_dim3A = arith.constant 0.000000e+00 : f32
    %broadcast_in_dim3A_1 = vector.broadcast %broadcast_in_dim3A : f32 to vector<16xf32>
    %div3A = arith.constant 97 : i32
    %div3A_2 = arith.divsi %add3A, %div3A : i32
    %rem3A = arith.constant 97 : i32
    %rem3A_3 = arith.remsi %add3A, %rem3A : i32
    %dma_start3A = arith.constant 0 : i32
    %dma_start3A_4 = arith.constant 0 : i32
    %dma_start3A_5 = tpu.memref_slice %arg3[%div3A_2, %dma_start3A, %dma_start3A_4] : memref<8x1x16384xi32, #tpu.memory_space<hbm>> -> memref<1x1x16384xi32, #tpu.memory_space<hbm>>
    %dma_start3A_6 = tpu.memref_squeeze %dma_start3A_5 : memref<1x1x16384xi32, #tpu.memory_space<hbm>> -> memref<16384xi32, #tpu.memory_space<hbm>>
    %dma_start3A_7 = arith.constant 0 : i32
    %dma_start3A_8 = tpu.memref_slice %arg3[%div3A_2, %dma_start3A, %dma_start3A_7] : memref<8x1x16384xi32, #tpu.memory_space<hbm>> -> memref<1x1x16384xi32, #tpu.memory_space<hbm>>
    %dma_start3A_9 = tpu.memref_squeeze %dma_start3A_8 : memref<1x1x16384xi32, #tpu.memory_space<hbm>> -> memref<16384xi32, #tpu.memory_space<hbm>>
    tpu.enqueue_dma source(%dma_start3A_9 : memref<16384xi32, #tpu.memory_space<hbm>>) target(%arg5 : memref<16384xi32, #tpu.memory_space<vmem>>) target_semaphore(%arg8 : memref<!tpu.dma_semaphore, #tpu.memory_space<semaphore_mem>>)
    %dma_start3A_10 = arith.constant 0 : i32
    %dma_start3A_11 = tpu.memref_slice %arg2[%div3A_2, %rem3A_3, %dma_start3A_10] : memref<8x97x16384xf32, #tpu.memory_space<hbm>> -> memref<1x1x16384xf32, #tpu.memory_space<hbm>>
    %dma_start3A_12 = tpu.memref_squeeze %dma_start3A_11 : memref<1x1x16384xf32, #tpu.memory_space<hbm>> -> memref<16384xf32, #tpu.memory_space<hbm>>
    %dma_start3A_13 = arith.constant 0 : i32
    %dma_start3A_14 = tpu.memref_slice %arg2[%div3A_2, %rem3A_3, %dma_start3A_13] : memref<8x97x16384xf32, #tpu.memory_space<hbm>> -> memref<1x1x16384xf32, #tpu.memory_space<hbm>>
    %dma_start3A_15 = tpu.memref_squeeze %dma_start3A_14 : memref<1x1x16384xf32, #tpu.memory_space<hbm>> -> memref<16384xf32, #tpu.memory_space<hbm>>
    tpu.enqueue_dma source(%dma_start3A_15 : memref<16384xf32, #tpu.memory_space<hbm>>) target(%arg6 : memref<16384xf32, #tpu.memory_space<vmem>>) target_semaphore(%arg9 : memref<!tpu.dma_semaphore, #tpu.memory_space<semaphore_mem>>)
    %scan3A = arith.constant 0 : i32
    %scan3A_16 = arith.constant 256 : i32
    %scan3A_17 = arith.addi %scan3A, %scan3A_16 : i32
    %scan3A_18 = arith.constant 1 : i32
    scf.for %scan3A_25 = %scan3A to %scan3A_17 step %scan3A_18  : i32 {
      %swap3A = arith.index_cast %scan3A_25 : i32 to index
      %swap3A_26 = arith.constant 0 : index
      %swap3A_27 = tpu.vector_load %arg7[%swap3A, %swap3A_26] {strides = array<i32>} : memref<256x256xf32, #tpu.memory_space<vmem>>, vector<16xf32>,
      tpu.vector_store %arg7[%swap3A, %swap3A_26], %broadcast_in_dim3A_1 {strides = array<i32>} : memref<256x256xf32, #tpu.memory_space<vmem>>, vector<16xf32>,
      %swap3A_28 = arith.index_cast %scan3A_25 : i32 to index
      %swap3A_29 = arith.constant 16 : index
      %swap3A_30 = tpu.vector_load %arg7[%swap3A_28, %swap3A_29] {strides = array<i32>} : memref<256x256xf32, #tpu.memory_space<vmem>>, vector<16xf32>,
      tpu.vector_store %arg7[%swap3A_28, %swap3A_29], %broadcast_in_dim3A_1 {strides = array<i32>} : memref<256x256xf32, #tpu.memory_space<vmem>>, vector<16xf32>,
      %swap3A_31 = arith.index_cast %scan3A_25 : i32 to index
      %swap3A_32 = arith.constant 32 : index
      %swap3A_33 = tpu.vector_load %arg7[%swap3A_31, %swap3A_32] {strides = array<i32>} : memref<256x256xf32, #tpu.memory_space<vmem>>, vector<16xf32>,
      tpu.vector_store %arg7[%swap3A_31, %swap3A_32], %broadcast_in_dim3A_1 {strides = array<i32>} : memref<256x256xf32, #tpu.memory_space<vmem>>, vector<16xf32>,
      %swap3A_34 = arith.index_cast %scan3A_25 : i32 to index
      %swap3A_35 = arith.constant 48 : index
      %swap3A_36 = tpu.vector_load %arg7[%swap3A_34, %swap3A_35] {strides = array<i32>} : memref<256x256xf32, #tpu.memory_space<vmem>>, vector<16xf32>,
      tpu.vector_store %arg7[%swap3A_34, %swap3A_35], %broadcast_in_dim3A_1 {strides = array<i32>} : memref<256x256xf32, #tpu.memory_space<vmem>>, vector<16xf32>,
      %swap3A_37 = arith.index_cast %scan3A_25 : i32 to index
      %swap3A_38 = arith.constant 64 : index
      %swap3A_39 = tpu.vector_load %arg7[%swap3A_37, %swap3A_38] {strides = array<i32>} : memref<256x256xf32, #tpu.memory_space<vmem>>, vector<16xf32>,
      tpu.vector_store %arg7[%swap3A_37, %swap3A_38], %broadcast_in_dim3A_1 {strides = array<i32>} : memref<256x256xf32, #tpu.memory_space<vmem>>, vector<16xf32>,
      %swap3A_40 = arith.index_cast %scan3A_25 : i32 to index
      %swap3A_41 = arith.constant 80 : index
      %swap3A_42 = tpu.vector_load %arg7[%swap3A_40, %swap3A_41] {strides = array<i32>} : memref<256x256xf32, #tpu.memory_space<vmem>>, vector<16xf32>,
      tpu.vector_store %arg7[%swap3A_40, %swap3A_41], %broadcast_in_dim3A_1 {strides = array<i32>} : memref<256x256xf32, #tpu.memory_space<vmem>>, vector<16xf32>,
      %swap3A_43 = arith.index_cast %scan3A_25 : i32 to index
      %swap3A_44 = arith.constant 96 : index
      %swap3A_45 = tpu.vector_load %arg7[%swap3A_43, %swap3A_44] {strides = array<i32>} : memref<256x256xf32, #tpu.memory_space<vmem>>, vector<16xf32>,
      tpu.vector_store %arg7[%swap3A_43, %swap3A_44], %broadcast_in_dim3A_1 {strides = array<i32>} : memref<256x256xf32, #tpu.memory_space<vmem>>, vector<16xf32>,
      %swap3A_46 = arith.index_cast %scan3A_25 : i32 to index
      %swap3A_47 = arith.constant 112 : index
      %swap3A_48 = tpu.vector_load %arg7[%swap3A_46, %swap3A_47] {strides = array<i32>} : memref<256x256xf32, #tpu.memory_space<vmem>>, vector<16xf32>,
      tpu.vector_store %arg7[%swap3A_46, %swap3A_47], %broadcast_in_dim3A_1 {strides = array<i32>} : memref<256x256xf32, #tpu.memory_space<vmem>>, vector<16xf32>,
      %swap3A_49 = arith.index_cast %scan3A_25 : i32 to index
      %swap3A_50 = arith.constant 128 : index
      %swap3A_51 = tpu.vector_load %arg7[%swap3A_49, %swap3A_50] {strides = array<i32>} : memref<256x256xf32, #tpu.memory_space<vmem>>, vector<16xf32>,
      tpu.vector_store %arg7[%swap3A_49, %swap3A_50], %broadcast_in_dim3A_1 {strides = array<i32>} : memref<256x256xf32, #tpu.memory_space<vmem>>, vector<16xf32>,
      %swap3A_52 = arith.index_cast %scan3A_25 : i32 to index
      %swap3A_53 = arith.constant 144 : index
      %swap3A_54 = tpu.vector_load %arg7[%swap3A_52, %swap3A_53] {strides = array<i32>} : memref<256x256xf32, #tpu.memory_space<vmem>>, vector<16xf32>,
      tpu.vector_store %arg7[%swap3A_52, %swap3A_53], %broadcast_in_dim3A_1 {strides = array<i32>} : memref<256x256xf32, #tpu.memory_space<vmem>>, vector<16xf32>,
      %swap3A_55 = arith.index_cast %scan3A_25 : i32 to index
      %swap3A_56 = arith.constant 160 : index
      %swap3A_57 = tpu.vector_load %arg7[%swap3A_55, %swap3A_56] {strides = array<i32>} : memref<256x256xf32, #tpu.memory_space<vmem>>, vector<16xf32>,
      tpu.vector_store %arg7[%swap3A_55, %swap3A_56], %broadcast_in_dim3A_1 {strides = array<i32>} : memref<256x256xf32, #tpu.memory_space<vmem>>, vector<16xf32>,
      %swap3A_58 = arith.index_cast %scan3A_25 : i32 to index
      %swap3A_59 = arith.constant 176 : index
      %swap3A_60 = tpu.vector_load %arg7[%swap3A_58, %swap3A_59] {strides = array<i32>} : memref<256x256xf32, #tpu.memory_space<vmem>>, vector<16xf32>,
      tpu.vector_store %arg7[%swap3A_58, %swap3A_59], %broadcast_in_dim3A_1 {strides = array<i32>} : memref<256x256xf32, #tpu.memory_space<vmem>>, vector<16xf32>,
      %swap3A_61 = arith.index_cast %scan3A_25 : i32 to index
      %swap3A_62 = arith.constant 192 : index
      %swap3A_63 = tpu.vector_load %arg7[%swap3A_61, %swap3A_62] {strides = array<i32>} : memref<256x256xf32, #tpu.memory_space<vmem>>, vector<16xf32>,
      tpu.vector_store %arg7[%swap3A_61, %swap3A_62], %broadcast_in_dim3A_1 {strides = array<i32>} : memref<256x256xf32, #tpu.memory_space<vmem>>, vector<16xf32>,
      %swap3A_64 = arith.index_cast %scan3A_25 : i32 to index
      %swap3A_65 = arith.constant 208 : index
      %swap3A_66 = tpu.vector_load %arg7[%swap3A_64, %swap3A_65] {strides = array<i32>} : memref<256x256xf32, #tpu.memory_space<vmem>>, vector<16xf32>,
      tpu.vector_store %arg7[%swap3A_64, %swap3A_65], %broadcast_in_dim3A_1 {strides = array<i32>} : memref<256x256xf32, #tpu.memory_space<vmem>>, vector<16xf32>,
      %swap3A_67 = arith.index_cast %scan3A_25 : i32 to index
      %swap3A_68 = arith.constant 224 : index
      %swap3A_69 = tpu.vector_load %arg7[%swap3A_67, %swap3A_68] {strides = array<i32>} : memref<256x256xf32, #tpu.memory_space<vmem>>, vector<16xf32>,
      tpu.vector_store %arg7[%swap3A_67, %swap3A_68], %broadcast_in_dim3A_1 {strides = array<i32>} : memref<256x256xf32, #tpu.memory_space<vmem>>, vector<16xf32>,
      %swap3A_70 = arith.index_cast %scan3A_25 : i32 to index
      %swap3A_71 = arith.constant 240 : index
      %swap3A_72 = tpu.vector_load %arg7[%swap3A_70, %swap3A_71] {strides = array<i32>} : memref<256x256xf32, #tpu.memory_space<vmem>>, vector<16xf32>,
      tpu.vector_store %arg7[%swap3A_70, %swap3A_71], %broadcast_in_dim3A_1 {strides = array<i32>} : memref<256x256xf32, #tpu.memory_space<vmem>>, vector<16xf32>,
    }
    %scan3A_19 = arith.constant 256 : i32
    %scan3A_20 = arith.constant 0 : i32
    %scan3A_21 = arith.constant 25 : i32
    %scan3A_22 = arith.addi %scan3A_20, %scan3A_21 : i32
    %scan3A_23 = arith.constant 1 : i32
    scf.for %scan3A_25 = %scan3A_20 to %scan3A_22 step %scan3A_23  : i32 {
      %mul3A_26 = arith.constant 32 : i32
      %mul3A_27 = arith.muli %scan3A_25, %mul3A_26 : i32
      %add3A_28 = arith.addi %mul3A_27, %add3A : i32
      %lt3A = arith.constant 776 : i32
      %lt3A_29 = arith.cmpi slt, %add3A_28, %lt3A : i32
      %convert_element_type3A = arith.extui %lt3A_29 : i1 to i32
      %cond3A = arith.constant 0 : i32
      %cond3A_30 = arith.cmpi ne, %convert_element_type3A, %cond3A : i32
      scf.if %cond3A_30 {
        %div3A_31 = arith.constant 97 : i32
        %div3A_32 = arith.divsi %add3A_28, %div3A_31 : i32
        %rem3A_33 = arith.constant 97 : i32
        %rem3A_34 = arith.remsi %add3A_28, %rem3A_33 : i32
        %dma_wait3A = arith.constant 0 : i32
        %dma_wait3A_35 = arith.constant 0 : i32
        %dma_wait3A_36 = tpu.memref_slice %arg3[%div3A_32, %dma_wait3A, %dma_wait3A_35] : memref<8x1x16384xi32, #tpu.memory_space<hbm>> -> memref<1x1x16384xi32, #tpu.memory_space<hbm>>
        %dma_wait3A_37 = tpu.memref_squeeze %dma_wait3A_36 : memref<1x1x16384xi32, #tpu.memory_space<hbm>> -> memref<16384xi32, #tpu.memory_space<hbm>>
        %dma_wait3A_38 = arith.constant 0 : i32
        %dma_wait3A_39 = tpu.memref_slice %arg3[%div3A_32, %dma_wait3A, %dma_wait3A_38] : memref<8x1x16384xi32, #tpu.memory_space<hbm>> -> memref<1x1x16384xi32, #tpu.memory_space<hbm>>
        %dma_wait3A_40 = tpu.memref_squeeze %dma_wait3A_39 : memref<1x1x16384xi32, #tpu.memory_space<hbm>> -> memref<16384xi32, #tpu.memory_space<hbm>>
        tpu.wait_dma2 semaphore(%arg8 : memref<!tpu.dma_semaphore, #tpu.memory_space<semaphore_mem>>) src(%dma_wait3A_40 : memref<16384xi32, #tpu.memory_space<hbm>>) dst(%arg5 : memref<16384xi32, #tpu.memory_space<vmem>>)
        %dma_wait3A_41 = arith.constant 0 : i32
        %dma_wait3A_42 = tpu.memref_slice %arg2[%div3A_32, %rem3A_34, %dma_wait3A_41] : memref<8x97x16384xf32, #tpu.memory_space<hbm>> -> memref<1x1x16384xf32, #tpu.memory_space<hbm>>
        %dma_wait3A_43 = tpu.memref_squeeze %dma_wait3A_42 : memref<1x1x16384xf32, #tpu.memory_space<hbm>> -> memref<16384xf32, #tpu.memory_space<hbm>>
        %dma_wait3A_44 = arith.constant 0 : i32
        %dma_wait3A_45 = tpu.memref_slice %arg2[%div3A_32, %rem3A_34, %dma_wait3A_44] : memref<8x97x16384xf32, #tpu.memory_space<hbm>> -> memref<1x1x16384xf32, #tpu.memory_space<hbm>>
        %dma_wait3A_46 = tpu.memref_squeeze %dma_wait3A_45 : memref<1x1x16384xf32, #tpu.memory_space<hbm>> -> memref<16384xf32, #tpu.memory_space<hbm>>
        tpu.wait_dma2 semaphore(%arg9 : memref<!tpu.dma_semaphore, #tpu.memory_space<semaphore_mem>>) src(%dma_wait3A_46 : memref<16384xf32, #tpu.memory_space<hbm>>) dst(%arg6 : memref<16384xf32, #tpu.memory_space<vmem>>)
        %scan3A_47 = arith.constant 0 : i32
        %scan3A_48 = arith.constant 256 : i32
        %scan3A_49 = arith.addi %scan3A_47, %scan3A_48 : i32
        %scan3A_50 = arith.constant 1 : i32
        scf.for %scan3A_191 = %scan3A_47 to %scan3A_49 step %scan3A_50  : i32 {
          %mul3A_192 = arith.constant 64 : i32
          %mul3A_193 = arith.muli %scan3A_191, %mul3A_192 : i32
          %add3A_194 = arith.constant 0 : i32
          %add3A_195 = arith.addi %mul3A_193, %add3A_194 : i32
          %get3A = arith.index_cast %add3A_195 : i32 to index
          %get3A_196 = tpu.vector_load %arg5[%get3A] {strides = array<i32>} : memref<16384xi32, #tpu.memory_space<vmem>>, vector<16xi32>,
          %get3A_197 = arith.index_cast %add3A_195 : i32 to index
          %get3A_198 = tpu.vector_load %arg6[%get3A_197] {strides = array<i32>} : memref<16384xf32, #tpu.memory_space<vmem>>, vector<16xf32>,
          %shift_right_logical3A = arith.constant 8 : i32
          %shift_right_logical3A_199 = vector.broadcast %shift_right_logical3A : i32 to vector<16xi32>
          %shift_right_logical3A_200 = arith.shrui %get3A_196, %shift_right_logical3A_199 : vector<16xi32>
          %and3A = arith.constant 255 : i32
          %and3A_201 = vector.broadcast %and3A : i32 to vector<16xi32>
          %and3A_202 = arith.andi %get3A_196, %and3A_201 : vector<16xi32>
          tpu.vector_store_idx %arg7[%shift_right_logical3A_200, %and3A_202], %get3A_198 {add = true} : memref<256x256xf32, #tpu.memory_space<vmem>>[vector<16xi32>, vector<16xi32>], vector<16xf32>,
          %add3A_203 = arith.constant 16 : i32
          %add3A_204 = arith.addi %mul3A_193, %add3A_203 : i32
          %get3A_205 = arith.index_cast %add3A_204 : i32 to index
          %get3A_206 = tpu.vector_load %arg5[%get3A_205] {strides = array<i32>} : memref<16384xi32, #tpu.memory_space<vmem>>, vector<16xi32>,
          %get3A_207 = arith.index_cast %add3A_204 : i32 to index
          %get3A_208 = tpu.vector_load %arg6[%get3A_207] {strides = array<i32>} : memref<16384xf32, #tpu.memory_space<vmem>>, vector<16xf32>,
          %shift_right_logical3A_209 = arith.constant 8 : i32
          %shift_right_logical3A_210 = vector.broadcast %shift_right_logical3A_209 : i32 to vector<16xi32>
          %shift_right_logical3A_211 = arith.shrui %get3A_206, %shift_right_logical3A_210 : vector<16xi32>
          %and3A_212 = arith.constant 255 : i32
          %and3A_213 = vector.broadcast %and3A_212 : i32 to vector<16xi32>
          %and3A_214 = arith.andi %get3A_206, %and3A_213 : vector<16xi32>
          tpu.vector_store_idx %arg7[%shift_right_logical3A_211, %and3A_214], %get3A_208 {add = true} : memref<256x256xf32, #tpu.memory_space<vmem>>[vector<16xi32>, vector<16xi32>], vector<16xf32>,
          %add3A_215 = arith.constant 32 : i32
          %add3A_216 = arith.addi %mul3A_193, %add3A_215 : i32
          %get3A_217 = arith.index_cast %add3A_216 : i32 to index
          %get3A_218 = tpu.vector_load %arg5[%get3A_217] {strides = array<i32>} : memref<16384xi32, #tpu.memory_space<vmem>>, vector<16xi32>,
          %get3A_219 = arith.index_cast %add3A_216 : i32 to index
          %get3A_220 = tpu.vector_load %arg6[%get3A_219] {strides = array<i32>} : memref<16384xf32, #tpu.memory_space<vmem>>, vector<16xf32>,
          %shift_right_logical3A_221 = arith.constant 8 : i32
          %shift_right_logical3A_222 = vector.broadcast %shift_right_logical3A_221 : i32 to vector<16xi32>
          %shift_right_logical3A_223 = arith.shrui %get3A_218, %shift_right_logical3A_222 : vector<16xi32>
          %and3A_224 = arith.constant 255 : i32
          %and3A_225 = vector.broadcast %and3A_224 : i32 to vector<16xi32>
          %and3A_226 = arith.andi %get3A_218, %and3A_225 : vector<16xi32>
          tpu.vector_store_idx %arg7[%shift_right_logical3A_223, %and3A_226], %get3A_220 {add = true} : memref<256x256xf32, #tpu.memory_space<vmem>>[vector<16xi32>, vector<16xi32>], vector<16xf32>,
          %add3A_227 = arith.constant 48 : i32
          %add3A_228 = arith.addi %mul3A_193, %add3A_227 : i32
          %get3A_229 = arith.index_cast %add3A_228 : i32 to index
          %get3A_230 = tpu.vector_load %arg5[%get3A_229] {strides = array<i32>} : memref<16384xi32, #tpu.memory_space<vmem>>, vector<16xi32>,
          %get3A_231 = arith.index_cast %add3A_228 : i32 to index
          %get3A_232 = tpu.vector_load %arg6[%get3A_231] {strides = array<i32>} : memref<16384xf32, #tpu.memory_space<vmem>>, vector<16xf32>,
          %shift_right_logical3A_233 = arith.constant 8 : i32
          %shift_right_logical3A_234 = vector.broadcast %shift_right_logical3A_233 : i32 to vector<16xi32>
          %shift_right_logical3A_235 = arith.shrui %get3A_230, %shift_right_logical3A_234 : vector<16xi32>
          %and3A_236 = arith.constant 255 : i32
          %and3A_237 = vector.broadcast %and3A_236 : i32 to vector<16xi32>
          %and3A_238 = arith.andi %get3A_230, %and3A_237 : vector<16xi32>
          tpu.vector_store_idx %arg7[%shift_right_logical3A_235, %and3A_238], %get3A_232 {add = true} : memref<256x256xf32, #tpu.memory_space<vmem>>[vector<16xi32>, vector<16xi32>], vector<16xf32>,
        }
        %scan3A_51 = arith.constant 256 : i32
        %add3A_52 = arith.constant 32 : i32
        %add3A_53 = arith.addi %add3A_28, %add3A_52 : i32
        %lt3A_54 = arith.constant 776 : i32
        %lt3A_55 = arith.cmpi slt, %add3A_53, %lt3A_54 : i32
        %convert_element_type3A_56 = arith.extui %lt3A_55 : i1 to i32
        %cond3A_57 = arith.constant 0 : i32
        %cond3A_58 = arith.cmpi ne, %convert_element_type3A_56, %cond3A_57 : i32
        scf.if %cond3A_58 {
          %add3A_191 = arith.constant 32 : i32
          %add3A_192 = arith.addi %add3A_28, %add3A_191 : i32
          %div3A_193 = arith.constant 97 : i32
          %div3A_194 = arith.divsi %add3A_192, %div3A_193 : i32
          %rem3A_195 = arith.constant 97 : i32
          %rem3A_196 = arith.remsi %add3A_192, %rem3A_195 : i32
          %dma_start3A_197 = arith.constant 0 : i32
          %dma_start3A_198 = arith.constant 0 : i32
          %dma_start3A_199 = tpu.memref_slice %arg3[%div3A_194, %dma_start3A_197, %dma_start3A_198] : memref<8x1x16384xi32, #tpu.memory_space<hbm>> -> memref<1x1x16384xi32, #tpu.memory_space<hbm>>
          %dma_start3A_200 = tpu.memref_squeeze %dma_start3A_199 : memref<1x1x16384xi32, #tpu.memory_space<hbm>> -> memref<16384xi32, #tpu.memory_space<hbm>>
          %dma_start3A_201 = arith.constant 0 : i32
          %dma_start3A_202 = tpu.memref_slice %arg3[%div3A_194, %dma_start3A_197, %dma_start3A_201] : memref<8x1x16384xi32, #tpu.memory_space<hbm>> -> memref<1x1x16384xi32, #tpu.memory_space<hbm>>
          %dma_start3A_203 = tpu.memref_squeeze %dma_start3A_202 : memref<1x1x16384xi32, #tpu.memory_space<hbm>> -> memref<16384xi32, #tpu.memory_space<hbm>>
          tpu.enqueue_dma source(%dma_start3A_203 : memref<16384xi32, #tpu.memory_space<hbm>>) target(%arg5 : memref<16384xi32, #tpu.memory_space<vmem>>) target_semaphore(%arg8 : memref<!tpu.dma_semaphore, #tpu.memory_space<semaphore_mem>>)
          %dma_start3A_204 = arith.constant 0 : i32
          %dma_start3A_205 = tpu.memref_slice %arg2[%div3A_194, %rem3A_196, %dma_start3A_204] : memref<8x97x16384xf32, #tpu.memory_space<hbm>> -> memref<1x1x16384xf32, #tpu.memory_space<hbm>>
          %dma_start3A_206 = tpu.memref_squeeze %dma_start3A_205 : memref<1x1x16384xf32, #tpu.memory_space<hbm>> -> memref<16384xf32, #tpu.memory_space<hbm>>
          %dma_start3A_207 = arith.constant 0 : i32
          %dma_start3A_208 = tpu.memref_slice %arg2[%div3A_194, %rem3A_196, %dma_start3A_207] : memref<8x97x16384xf32, #tpu.memory_space<hbm>> -> memref<1x1x16384xf32, #tpu.memory_space<hbm>>
          %dma_start3A_209 = tpu.memref_squeeze %dma_start3A_208 : memref<1x1x16384xf32, #tpu.memory_space<hbm>> -> memref<16384xf32, #tpu.memory_space<hbm>>
          tpu.enqueue_dma source(%dma_start3A_209 : memref<16384xf32, #tpu.memory_space<hbm>>) target(%arg6 : memref<16384xf32, #tpu.memory_space<vmem>>) target_semaphore(%arg9 : memref<!tpu.dma_semaphore, #tpu.memory_space<semaphore_mem>>)
        } else {
        }
        %dma_start3A_59 = arith.constant 0 : i32
        %dma_start3A_60 = arith.constant 0 : i32
        %dma_start3A_61 = tpu.memref_slice %arg7[%dma_start3A_59, %dma_start3A_60] : memref<256x256xf32, #tpu.memory_space<vmem>> -> memref<64x256xf32, #tpu.memory_space<vmem>>
        %dma_start3A_62 = arith.constant 0 : i32
        %dma_start3A_63 = arith.constant 0 : i32
        %dma_start3A_64 = tpu.memref_slice %arg4[%div3A_32, %rem3A_34, %dma_start3A_62, %dma_start3A_63] : memref<8x97x256x256xf32, #tpu.memory_space<hbm>> -> memref<1x1x64x256xf32, #tpu.memory_space<hbm>>
        %dma_start3A_65 = tpu.memref_squeeze %dma_start3A_64 : memref<1x1x64x256xf32, #tpu.memory_space<hbm>> -> memref<64x256xf32, #tpu.memory_space<hbm>>
        %dma_start3A_66 = arith.constant 0 : i32
        %dma_start3A_67 = arith.constant 0 : i32
        %dma_start3A_68 = tpu.memref_slice %arg4[%div3A_32, %rem3A_34, %dma_start3A_66, %dma_start3A_67] : memref<8x97x256x256xf32, #tpu.memory_space<hbm>> -> memref<1x1x64x256xf32, #tpu.memory_space<hbm>>
        %dma_start3A_69 = tpu.memref_squeeze %dma_start3A_68 : memref<1x1x64x256xf32, #tpu.memory_space<hbm>> -> memref<64x256xf32, #tpu.memory_space<hbm>>
        %dma_start3A_70 = arith.constant 0 : i32
        %dma_start3A_71 = arith.constant 0 : i32
        %dma_start3A_72 = tpu.memref_slice %arg7[%dma_start3A_70, %dma_start3A_71] : memref<256x256xf32, #tpu.memory_space<vmem>> -> memref<64x256xf32, #tpu.memory_space<vmem>>
        tpu.enqueue_dma source(%dma_start3A_72 : memref<64x256xf32, #tpu.memory_space<vmem>>) target(%dma_start3A_69 : memref<64x256xf32, #tpu.memory_space<hbm>>) target_semaphore(%arg10 : memref<!tpu.dma_semaphore, #tpu.memory_space<semaphore_mem>>)
        %dma_start3A_73 = arith.constant 64 : i32
        %dma_start3A_74 = arith.constant 0 : i32
        %dma_start3A_75 = tpu.memref_slice %arg7[%dma_start3A_73, %dma_start3A_74] : memref<256x256xf32, #tpu.memory_space<vmem>> -> memref<64x256xf32, #tpu.memory_space<vmem>>
        %dma_start3A_76 = arith.constant 64 : i32
        %dma_start3A_77 = arith.constant 0 : i32
        %dma_start3A_78 = tpu.memref_slice %arg4[%div3A_32, %rem3A_34, %dma_start3A_76, %dma_start3A_77] : memref<8x97x256x256xf32, #tpu.memory_space<hbm>> -> memref<1x1x64x256xf32, #tpu.memory_space<hbm>>
        %dma_start3A_79 = tpu.memref_squeeze %dma_start3A_78 : memref<1x1x64x256xf32, #tpu.memory_space<hbm>> -> memref<64x256xf32, #tpu.memory_space<hbm>>
        %dma_start3A_80 = arith.constant 64 : i32
        %dma_start3A_81 = arith.constant 0 : i32
        %dma_start3A_82 = tpu.memref_slice %arg4[%div3A_32, %rem3A_34, %dma_start3A_80, %dma_start3A_81] : memref<8x97x256x256xf32, #tpu.memory_space<hbm>> -> memref<1x1x64x256xf32, #tpu.memory_space<hbm>>
        %dma_start3A_83 = tpu.memref_squeeze %dma_start3A_82 : memref<1x1x64x256xf32, #tpu.memory_space<hbm>> -> memref<64x256xf32, #tpu.memory_space<hbm>>
        %dma_start3A_84 = arith.constant 64 : i32
        %dma_start3A_85 = arith.constant 0 : i32
        %dma_start3A_86 = tpu.memref_slice %arg7[%dma_start3A_84, %dma_start3A_85] : memref<256x256xf32, #tpu.memory_space<vmem>> -> memref<64x256xf32, #tpu.memory_space<vmem>>
        tpu.enqueue_dma source(%dma_start3A_86 : memref<64x256xf32, #tpu.memory_space<vmem>>) target(%dma_start3A_83 : memref<64x256xf32, #tpu.memory_space<hbm>>) target_semaphore(%arg11 : memref<!tpu.dma_semaphore, #tpu.memory_space<semaphore_mem>>)
        %dma_start3A_87 = arith.constant 128 : i32
        %dma_start3A_88 = arith.constant 0 : i32
        %dma_start3A_89 = tpu.memref_slice %arg7[%dma_start3A_87, %dma_start3A_88] : memref<256x256xf32, #tpu.memory_space<vmem>> -> memref<64x256xf32, #tpu.memory_space<vmem>>
        %dma_start3A_90 = arith.constant 128 : i32
        %dma_start3A_91 = arith.constant 0 : i32
        %dma_start3A_92 = tpu.memref_slice %arg4[%div3A_32, %rem3A_34, %dma_start3A_90, %dma_start3A_91] : memref<8x97x256x256xf32, #tpu.memory_space<hbm>> -> memref<1x1x64x256xf32, #tpu.memory_space<hbm>>
        %dma_start3A_93 = tpu.memref_squeeze %dma_start3A_92 : memref<1x1x64x256xf32, #tpu.memory_space<hbm>> -> memref<64x256xf32, #tpu.memory_space<hbm>>
        %dma_start3A_94 = arith.constant 128 : i32
        %dma_start3A_95 = arith.constant 0 : i32
        %dma_start3A_96 = tpu.memref_slice %arg4[%div3A_32, %rem3A_34, %dma_start3A_94, %dma_start3A_95] : memref<8x97x256x256xf32, #tpu.memory_space<hbm>> -> memref<1x1x64x256xf32, #tpu.memory_space<hbm>>
        %dma_start3A_97 = tpu.memref_squeeze %dma_start3A_96 : memref<1x1x64x256xf32, #tpu.memory_space<hbm>> -> memref<64x256xf32, #tpu.memory_space<hbm>>
        %dma_start3A_98 = arith.constant 128 : i32
        %dma_start3A_99 = arith.constant 0 : i32
        %dma_start3A_100 = tpu.memref_slice %arg7[%dma_start3A_98, %dma_start3A_99] : memref<256x256xf32, #tpu.memory_space<vmem>> -> memref<64x256xf32, #tpu.memory_space<vmem>>
        tpu.enqueue_dma source(%dma_start3A_100 : memref<64x256xf32, #tpu.memory_space<vmem>>) target(%dma_start3A_97 : memref<64x256xf32, #tpu.memory_space<hbm>>) target_semaphore(%arg12 : memref<!tpu.dma_semaphore, #tpu.memory_space<semaphore_mem>>)
        %dma_start3A_101 = arith.constant 192 : i32
        %dma_start3A_102 = arith.constant 0 : i32
        %dma_start3A_103 = tpu.memref_slice %arg7[%dma_start3A_101, %dma_start3A_102] : memref<256x256xf32, #tpu.memory_space<vmem>> -> memref<64x256xf32, #tpu.memory_space<vmem>>
        %dma_start3A_104 = arith.constant 192 : i32
        %dma_start3A_105 = arith.constant 0 : i32
        %dma_start3A_106 = tpu.memref_slice %arg4[%div3A_32, %rem3A_34, %dma_start3A_104, %dma_start3A_105] : memref<8x97x256x256xf32, #tpu.memory_space<hbm>> -> memref<1x1x64x256xf32, #tpu.memory_space<hbm>>
        %dma_start3A_107 = tpu.memref_squeeze %dma_start3A_106 : memref<1x1x64x256xf32, #tpu.memory_space<hbm>> -> memref<64x256xf32, #tpu.memory_space<hbm>>
        %dma_start3A_108 = arith.constant 192 : i32
        %dma_start3A_109 = arith.constant 0 : i32
        %dma_start3A_110 = tpu.memref_slice %arg4[%div3A_32, %rem3A_34, %dma_start3A_108, %dma_start3A_109] : memref<8x97x256x256xf32, #tpu.memory_space<hbm>> -> memref<1x1x64x256xf32, #tpu.memory_space<hbm>>
        %dma_start3A_111 = tpu.memref_squeeze %dma_start3A_110 : memref<1x1x64x256xf32, #tpu.memory_space<hbm>> -> memref<64x256xf32, #tpu.memory_space<hbm>>
        %dma_start3A_112 = arith.constant 192 : i32
        %dma_start3A_113 = arith.constant 0 : i32
        %dma_start3A_114 = tpu.memref_slice %arg7[%dma_start3A_112, %dma_start3A_113] : memref<256x256xf32, #tpu.memory_space<vmem>> -> memref<64x256xf32, #tpu.memory_space<vmem>>
        tpu.enqueue_dma source(%dma_start3A_114 : memref<64x256xf32, #tpu.memory_space<vmem>>) target(%dma_start3A_111 : memref<64x256xf32, #tpu.memory_space<hbm>>) target_semaphore(%arg13 : memref<!tpu.dma_semaphore, #tpu.memory_space<semaphore_mem>>)
        %dma_wait3A_115 = arith.constant 0 : i32
        %dma_wait3A_116 = arith.constant 0 : i32
        %dma_wait3A_117 = tpu.memref_slice %arg7[%dma_wait3A_115, %dma_wait3A_116] : memref<256x256xf32, #tpu.memory_space<vmem>> -> memref<64x256xf32, #tpu.memory_space<vmem>>
        %dma_wait3A_118 = arith.constant 0 : i32
        %dma_wait3A_119 = arith.constant 0 : i32
        %dma_wait3A_120 = tpu.memref_slice %arg4[%div3A_32, %rem3A_34, %dma_wait3A_118, %dma_wait3A_119] : memref<8x97x256x256xf32, #tpu.memory_space<hbm>> -> memref<1x1x64x256xf32, #tpu.memory_space<hbm>>
        %dma_wait3A_121 = tpu.memref_squeeze %dma_wait3A_120 : memref<1x1x64x256xf32, #tpu.memory_space<hbm>> -> memref<64x256xf32, #tpu.memory_space<hbm>>
        %dma_wait3A_122 = arith.constant 0 : i32
        %dma_wait3A_123 = arith.constant 0 : i32
        %dma_wait3A_124 = tpu.memref_slice %arg4[%div3A_32, %rem3A_34, %dma_wait3A_122, %dma_wait3A_123] : memref<8x97x256x256xf32, #tpu.memory_space<hbm>> -> memref<1x1x64x256xf32, #tpu.memory_space<hbm>>
        %dma_wait3A_125 = tpu.memref_squeeze %dma_wait3A_124 : memref<1x1x64x256xf32, #tpu.memory_space<hbm>> -> memref<64x256xf32, #tpu.memory_space<hbm>>
        %dma_wait3A_126 = arith.constant 0 : i32
        %dma_wait3A_127 = arith.constant 0 : i32
        %dma_wait3A_128 = tpu.memref_slice %arg7[%dma_wait3A_126, %dma_wait3A_127] : memref<256x256xf32, #tpu.memory_space<vmem>> -> memref<64x256xf32, #tpu.memory_space<vmem>>
        tpu.wait_dma2 semaphore(%arg10 : memref<!tpu.dma_semaphore, #tpu.memory_space<semaphore_mem>>) src(%dma_wait3A_128 : memref<64x256xf32, #tpu.memory_space<vmem>>) dst(%dma_wait3A_125 : memref<64x256xf32, #tpu.memory_space<hbm>>)
        %scan3A_129 = arith.constant 0 : i32
        %scan3A_130 = arith.constant 64 : i32
        %scan3A_131 = arith.addi %scan3A_129, %scan3A_130 : i32
        %scan3A_132 = arith.constant 1 : i32
        scf.for %scan3A_191 = %scan3A_129 to %scan3A_131 step %scan3A_132  : i32 {
          %swap3A = arith.index_cast %scan3A_191 : i32 to index
          %swap3A_192 = arith.constant 0 : index
          %swap3A_193 = tpu.vector_load %arg7[%swap3A, %swap3A_192] {strides = array<i32>} : memref<256x256xf32, #tpu.memory_space<vmem>>, vector<16xf32>,
          tpu.vector_store %arg7[%swap3A, %swap3A_192], %broadcast_in_dim3A_1 {strides = array<i32>} : memref<256x256xf32, #tpu.memory_space<vmem>>, vector<16xf32>,
          %swap3A_194 = arith.index_cast %scan3A_191 : i32 to index
          %swap3A_195 = arith.constant 16 : index
          %swap3A_196 = tpu.vector_load %arg7[%swap3A_194, %swap3A_195] {strides = array<i32>} : memref<256x256xf32, #tpu.memory_space<vmem>>, vector<16xf32>,
          tpu.vector_store %arg7[%swap3A_194, %swap3A_195], %broadcast_in_dim3A_1 {strides = array<i32>} : memref<256x256xf32, #tpu.memory_space<vmem>>, vector<16xf32>,
          %swap3A_197 = arith.index_cast %scan3A_191 : i32 to index
          %swap3A_198 = arith.constant 32 : index
          %swap3A_199 = tpu.vector_load %arg7[%swap3A_197, %swap3A_198] {strides = array<i32>} : memref<256x256xf32, #tpu.memory_space<vmem>>, vector<16xf32>,
          tpu.vector_store %arg7[%swap3A_197, %swap3A_198], %broadcast_in_dim3A_1 {strides = array<i32>} : memref<256x256xf32, #tpu.memory_space<vmem>>, vector<16xf32>,
          %swap3A_200 = arith.index_cast %scan3A_191 : i32 to index
          %swap3A_201 = arith.constant 48 : index
          %swap3A_202 = tpu.vector_load %arg7[%swap3A_200, %swap3A_201] {strides = array<i32>} : memref<256x256xf32, #tpu.memory_space<vmem>>, vector<16xf32>,
          tpu.vector_store %arg7[%swap3A_200, %swap3A_201], %broadcast_in_dim3A_1 {strides = array<i32>} : memref<256x256xf32, #tpu.memory_space<vmem>>, vector<16xf32>,
          %swap3A_203 = arith.index_cast %scan3A_191 : i32 to index
          %swap3A_204 = arith.constant 64 : index
          %swap3A_205 = tpu.vector_load %arg7[%swap3A_203, %swap3A_204] {strides = array<i32>} : memref<256x256xf32, #tpu.memory_space<vmem>>, vector<16xf32>,
          tpu.vector_store %arg7[%swap3A_203, %swap3A_204], %broadcast_in_dim3A_1 {strides = array<i32>} : memref<256x256xf32, #tpu.memory_space<vmem>>, vector<16xf32>,
          %swap3A_206 = arith.index_cast %scan3A_191 : i32 to index
          %swap3A_207 = arith.constant 80 : index
          %swap3A_208 = tpu.vector_load %arg7[%swap3A_206, %swap3A_207] {strides = array<i32>} : memref<256x256xf32, #tpu.memory_space<vmem>>, vector<16xf32>,
          tpu.vector_store %arg7[%swap3A_206, %swap3A_207], %broadcast_in_dim3A_1 {strides = array<i32>} : memref<256x256xf32, #tpu.memory_space<vmem>>, vector<16xf32>,
          %swap3A_209 = arith.index_cast %scan3A_191 : i32 to index
          %swap3A_210 = arith.constant 96 : index
          %swap3A_211 = tpu.vector_load %arg7[%swap3A_209, %swap3A_210] {strides = array<i32>} : memref<256x256xf32, #tpu.memory_space<vmem>>, vector<16xf32>,
          tpu.vector_store %arg7[%swap3A_209, %swap3A_210], %broadcast_in_dim3A_1 {strides = array<i32>} : memref<256x256xf32, #tpu.memory_space<vmem>>, vector<16xf32>,
          %swap3A_212 = arith.index_cast %scan3A_191 : i32 to index
          %swap3A_213 = arith.constant 112 : index
          %swap3A_214 = tpu.vector_load %arg7[%swap3A_212, %swap3A_213] {strides = array<i32>} : memref<256x256xf32, #tpu.memory_space<vmem>>, vector<16xf32>,
          tpu.vector_store %arg7[%swap3A_212, %swap3A_213], %broadcast_in_dim3A_1 {strides = array<i32>} : memref<256x256xf32, #tpu.memory_space<vmem>>, vector<16xf32>,
          %swap3A_215 = arith.index_cast %scan3A_191 : i32 to index
          %swap3A_216 = arith.constant 128 : index
          %swap3A_217 = tpu.vector_load %arg7[%swap3A_215, %swap3A_216] {strides = array<i32>} : memref<256x256xf32, #tpu.memory_space<vmem>>, vector<16xf32>,
          tpu.vector_store %arg7[%swap3A_215, %swap3A_216], %broadcast_in_dim3A_1 {strides = array<i32>} : memref<256x256xf32, #tpu.memory_space<vmem>>, vector<16xf32>,
          %swap3A_218 = arith.index_cast %scan3A_191 : i32 to index
          %swap3A_219 = arith.constant 144 : index
          %swap3A_220 = tpu.vector_load %arg7[%swap3A_218, %swap3A_219] {strides = array<i32>} : memref<256x256xf32, #tpu.memory_space<vmem>>, vector<16xf32>,
          tpu.vector_store %arg7[%swap3A_218, %swap3A_219], %broadcast_in_dim3A_1 {strides = array<i32>} : memref<256x256xf32, #tpu.memory_space<vmem>>, vector<16xf32>,
          %swap3A_221 = arith.index_cast %scan3A_191 : i32 to index
          %swap3A_222 = arith.constant 160 : index
          %swap3A_223 = tpu.vector_load %arg7[%swap3A_221, %swap3A_222] {strides = array<i32>} : memref<256x256xf32, #tpu.memory_space<vmem>>, vector<16xf32>,
          tpu.vector_store %arg7[%swap3A_221, %swap3A_222], %broadcast_in_dim3A_1 {strides = array<i32>} : memref<256x256xf32, #tpu.memory_space<vmem>>, vector<16xf32>,
          %swap3A_224 = arith.index_cast %scan3A_191 : i32 to index
          %swap3A_225 = arith.constant 176 : index
          %swap3A_226 = tpu.vector_load %arg7[%swap3A_224, %swap3A_225] {strides = array<i32>} : memref<256x256xf32, #tpu.memory_space<vmem>>, vector<16xf32>,
          tpu.vector_store %arg7[%swap3A_224, %swap3A_225], %broadcast_in_dim3A_1 {strides = array<i32>} : memref<256x256xf32, #tpu.memory_space<vmem>>, vector<16xf32>,
          %swap3A_227 = arith.index_cast %scan3A_191 : i32 to index
          %swap3A_228 = arith.constant 192 : index
          %swap3A_229 = tpu.vector_load %arg7[%swap3A_227, %swap3A_228] {strides = array<i32>} : memref<256x256xf32, #tpu.memory_space<vmem>>, vector<16xf32>,
          tpu.vector_store %arg7[%swap3A_227, %swap3A_228], %broadcast_in_dim3A_1 {strides = array<i32>} : memref<256x256xf32, #tpu.memory_space<vmem>>, vector<16xf32>,
          %swap3A_230 = arith.index_cast %scan3A_191 : i32 to index
          %swap3A_231 = arith.constant 208 : index
          %swap3A_232 = tpu.vector_load %arg7[%swap3A_230, %swap3A_231] {strides = array<i32>} : memref<256x256xf32, #tpu.memory_space<vmem>>, vector<16xf32>,
          tpu.vector_store %arg7[%swap3A_230, %swap3A_231], %broadcast_in_dim3A_1 {strides = array<i32>} : memref<256x256xf32, #tpu.memory_space<vmem>>, vector<16xf32>,
          %swap3A_233 = arith.index_cast %scan3A_191 : i32 to index
          %swap3A_234 = arith.constant 224 : index
          %swap3A_235 = tpu.vector_load %arg7[%swap3A_233, %swap3A_234] {strides = array<i32>} : memref<256x256xf32, #tpu.memory_space<vmem>>, vector<16xf32>,
          tpu.vector_store %arg7[%swap3A_233, %swap3A_234], %broadcast_in_dim3A_1 {strides = array<i32>} : memref<256x256xf32, #tpu.memory_space<vmem>>, vector<16xf32>,
          %swap3A_236 = arith.index_cast %scan3A_191 : i32 to index
          %swap3A_237 = arith.constant 240 : index
          %swap3A_238 = tpu.vector_load %arg7[%swap3A_236, %swap3A_237] {strides = array<i32>} : memref<256x256xf32, #tpu.memory_space<vmem>>, vector<16xf32>,
          tpu.vector_store %arg7[%swap3A_236, %swap3A_237], %broadcast_in_dim3A_1 {strides = array<i32>} : memref<256x256xf32, #tpu.memory_space<vmem>>, vector<16xf32>,
        }
        %scan3A_133 = arith.constant 64 : i32
        %dma_wait3A_134 = arith.constant 64 : i32
        %dma_wait3A_135 = arith.constant 0 : i32
        %dma_wait3A_136 = tpu.memref_slice %arg7[%dma_wait3A_134, %dma_wait3A_135] : memref<256x256xf32, #tpu.memory_space<vmem>> -> memref<64x256xf32, #tpu.memory_space<vmem>>
        %dma_wait3A_137 = arith.constant 64 : i32
        %dma_wait3A_138 = arith.constant 0 : i32
        %dma_wait3A_139 = tpu.memref_slice %arg4[%div3A_32, %rem3A_34, %dma_wait3A_137, %dma_wait3A_138] : memref<8x97x256x256xf32, #tpu.memory_space<hbm>> -> memref<1x1x64x256xf32, #tpu.memory_space<hbm>>
        %dma_wait3A_140 = tpu.memref_squeeze %dma_wait3A_139 : memref<1x1x64x256xf32, #tpu.memory_space<hbm>> -> memref<64x256xf32, #tpu.memory_space<hbm>>
        %dma_wait3A_141 = arith.constant 64 : i32
        %dma_wait3A_142 = arith.constant 0 : i32
        %dma_wait3A_143 = tpu.memref_slice %arg4[%div3A_32, %rem3A_34, %dma_wait3A_141, %dma_wait3A_142] : memref<8x97x256x256xf32, #tpu.memory_space<hbm>> -> memref<1x1x64x256xf32, #tpu.memory_space<hbm>>
        %dma_wait3A_144 = tpu.memref_squeeze %dma_wait3A_143 : memref<1x1x64x256xf32, #tpu.memory_space<hbm>> -> memref<64x256xf32, #tpu.memory_space<hbm>>
        %dma_wait3A_145 = arith.constant 64 : i32
        %dma_wait3A_146 = arith.constant 0 : i32
        %dma_wait3A_147 = tpu.memref_slice %arg7[%dma_wait3A_145, %dma_wait3A_146] : memref<256x256xf32, #tpu.memory_space<vmem>> -> memref<64x256xf32, #tpu.memory_space<vmem>>
        tpu.wait_dma2 semaphore(%arg11 : memref<!tpu.dma_semaphore, #tpu.memory_space<semaphore_mem>>) src(%dma_wait3A_147 : memref<64x256xf32, #tpu.memory_space<vmem>>) dst(%dma_wait3A_144 : memref<64x256xf32, #tpu.memory_space<hbm>>)
        %scan3A_148 = arith.constant 64 : i32
        %scan3A_149 = arith.constant 64 : i32
        %scan3A_150 = arith.addi %scan3A_148, %scan3A_149 : i32
        %scan3A_151 = arith.constant 1 : i32
        scf.for %scan3A_191 = %scan3A_148 to %scan3A_150 step %scan3A_151  : i32 {
          %swap3A = arith.index_cast %scan3A_191 : i32 to index
          %swap3A_192 = arith.constant 0 : index
          %swap3A_193 = tpu.vector_load %arg7[%swap3A, %swap3A_192] {strides = array<i32>} : memref<256x256xf32, #tpu.memory_space<vmem>>, vector<16xf32>,
          tpu.vector_store %arg7[%swap3A, %swap3A_192], %broadcast_in_dim3A_1 {strides = array<i32>} : memref<256x256xf32, #tpu.memory_space<vmem>>, vector<16xf32>,
          %swap3A_194 = arith.index_cast %scan3A_191 : i32 to index
          %swap3A_195 = arith.constant 16 : index
          %swap3A_196 = tpu.vector_load %arg7[%swap3A_194, %swap3A_195] {strides = array<i32>} : memref<256x256xf32, #tpu.memory_space<vmem>>, vector<16xf32>,
          tpu.vector_store %arg7[%swap3A_194, %swap3A_195], %broadcast_in_dim3A_1 {strides = array<i32>} : memref<256x256xf32, #tpu.memory_space<vmem>>, vector<16xf32>,
          %swap3A_197 = arith.index_cast %scan3A_191 : i32 to index
          %swap3A_198 = arith.constant 32 : index
          %swap3A_199 = tpu.vector_load %arg7[%swap3A_197, %swap3A_198] {strides = array<i32>} : memref<256x256xf32, #tpu.memory_space<vmem>>, vector<16xf32>,
          tpu.vector_store %arg7[%swap3A_197, %swap3A_198], %broadcast_in_dim3A_1 {strides = array<i32>} : memref<256x256xf32, #tpu.memory_space<vmem>>, vector<16xf32>,
          %swap3A_200 = arith.index_cast %scan3A_191 : i32 to index
          %swap3A_201 = arith.constant 48 : index
          %swap3A_202 = tpu.vector_load %arg7[%swap3A_200, %swap3A_201] {strides = array<i32>} : memref<256x256xf32, #tpu.memory_space<vmem>>, vector<16xf32>,
          tpu.vector_store %arg7[%swap3A_200, %swap3A_201], %broadcast_in_dim3A_1 {strides = array<i32>} : memref<256x256xf32, #tpu.memory_space<vmem>>, vector<16xf32>,
          %swap3A_203 = arith.index_cast %scan3A_191 : i32 to index
          %swap3A_204 = arith.constant 64 : index
          %swap3A_205 = tpu.vector_load %arg7[%swap3A_203, %swap3A_204] {strides = array<i32>} : memref<256x256xf32, #tpu.memory_space<vmem>>, vector<16xf32>,
          tpu.vector_store %arg7[%swap3A_203, %swap3A_204], %broadcast_in_dim3A_1 {strides = array<i32>} : memref<256x256xf32, #tpu.memory_space<vmem>>, vector<16xf32>,
          %swap3A_206 = arith.index_cast %scan3A_191 : i32 to index
          %swap3A_207 = arith.constant 80 : index
          %swap3A_208 = tpu.vector_load %arg7[%swap3A_206, %swap3A_207] {strides = array<i32>} : memref<256x256xf32, #tpu.memory_space<vmem>>, vector<16xf32>,
          tpu.vector_store %arg7[%swap3A_206, %swap3A_207], %broadcast_in_dim3A_1 {strides = array<i32>} : memref<256x256xf32, #tpu.memory_space<vmem>>, vector<16xf32>,
          %swap3A_209 = arith.index_cast %scan3A_191 : i32 to index
          %swap3A_210 = arith.constant 96 : index
          %swap3A_211 = tpu.vector_load %arg7[%swap3A_209, %swap3A_210] {strides = array<i32>} : memref<256x256xf32, #tpu.memory_space<vmem>>, vector<16xf32>,
          tpu.vector_store %arg7[%swap3A_209, %swap3A_210], %broadcast_in_dim3A_1 {strides = array<i32>} : memref<256x256xf32, #tpu.memory_space<vmem>>, vector<16xf32>,
          %swap3A_212 = arith.index_cast %scan3A_191 : i32 to index
          %swap3A_213 = arith.constant 112 : index
          %swap3A_214 = tpu.vector_load %arg7[%swap3A_212, %swap3A_213] {strides = array<i32>} : memref<256x256xf32, #tpu.memory_space<vmem>>, vector<16xf32>,
          tpu.vector_store %arg7[%swap3A_212, %swap3A_213], %broadcast_in_dim3A_1 {strides = array<i32>} : memref<256x256xf32, #tpu.memory_space<vmem>>, vector<16xf32>,
          %swap3A_215 = arith.index_cast %scan3A_191 : i32 to index
          %swap3A_216 = arith.constant 128 : index
          %swap3A_217 = tpu.vector_load %arg7[%swap3A_215, %swap3A_216] {strides = array<i32>} : memref<256x256xf32, #tpu.memory_space<vmem>>, vector<16xf32>,
          tpu.vector_store %arg7[%swap3A_215, %swap3A_216], %broadcast_in_dim3A_1 {strides = array<i32>} : memref<256x256xf32, #tpu.memory_space<vmem>>, vector<16xf32>,
          %swap3A_218 = arith.index_cast %scan3A_191 : i32 to index
          %swap3A_219 = arith.constant 144 : index
          %swap3A_220 = tpu.vector_load %arg7[%swap3A_218, %swap3A_219] {strides = array<i32>} : memref<256x256xf32, #tpu.memory_space<vmem>>, vector<16xf32>,
          tpu.vector_store %arg7[%swap3A_218, %swap3A_219], %broadcast_in_dim3A_1 {strides = array<i32>} : memref<256x256xf32, #tpu.memory_space<vmem>>, vector<16xf32>,
          %swap3A_221 = arith.index_cast %scan3A_191 : i32 to index
          %swap3A_222 = arith.constant 160 : index
          %swap3A_223 = tpu.vector_load %arg7[%swap3A_221, %swap3A_222] {strides = array<i32>} : memref<256x256xf32, #tpu.memory_space<vmem>>, vector<16xf32>,
          tpu.vector_store %arg7[%swap3A_221, %swap3A_222], %broadcast_in_dim3A_1 {strides = array<i32>} : memref<256x256xf32, #tpu.memory_space<vmem>>, vector<16xf32>,
          %swap3A_224 = arith.index_cast %scan3A_191 : i32 to index
          %swap3A_225 = arith.constant 176 : index
          %swap3A_226 = tpu.vector_load %arg7[%swap3A_224, %swap3A_225] {strides = array<i32>} : memref<256x256xf32, #tpu.memory_space<vmem>>, vector<16xf32>,
          tpu.vector_store %arg7[%swap3A_224, %swap3A_225], %broadcast_in_dim3A_1 {strides = array<i32>} : memref<256x256xf32, #tpu.memory_space<vmem>>, vector<16xf32>,
          %swap3A_227 = arith.index_cast %scan3A_191 : i32 to index
          %swap3A_228 = arith.constant 192 : index
          %swap3A_229 = tpu.vector_load %arg7[%swap3A_227, %swap3A_228] {strides = array<i32>} : memref<256x256xf32, #tpu.memory_space<vmem>>, vector<16xf32>,
          tpu.vector_store %arg7[%swap3A_227, %swap3A_228], %broadcast_in_dim3A_1 {strides = array<i32>} : memref<256x256xf32, #tpu.memory_space<vmem>>, vector<16xf32>,
          %swap3A_230 = arith.index_cast %scan3A_191 : i32 to index
          %swap3A_231 = arith.constant 208 : index
          %swap3A_232 = tpu.vector_load %arg7[%swap3A_230, %swap3A_231] {strides = array<i32>} : memref<256x256xf32, #tpu.memory_space<vmem>>, vector<16xf32>,
          tpu.vector_store %arg7[%swap3A_230, %swap3A_231], %broadcast_in_dim3A_1 {strides = array<i32>} : memref<256x256xf32, #tpu.memory_space<vmem>>, vector<16xf32>,
          %swap3A_233 = arith.index_cast %scan3A_191 : i32 to index
          %swap3A_234 = arith.constant 224 : index
          %swap3A_235 = tpu.vector_load %arg7[%swap3A_233, %swap3A_234] {strides = array<i32>} : memref<256x256xf32, #tpu.memory_space<vmem>>, vector<16xf32>,
          tpu.vector_store %arg7[%swap3A_233, %swap3A_234], %broadcast_in_dim3A_1 {strides = array<i32>} : memref<256x256xf32, #tpu.memory_space<vmem>>, vector<16xf32>,
          %swap3A_236 = arith.index_cast %scan3A_191 : i32 to index
          %swap3A_237 = arith.constant 240 : index
          %swap3A_238 = tpu.vector_load %arg7[%swap3A_236, %swap3A_237] {strides = array<i32>} : memref<256x256xf32, #tpu.memory_space<vmem>>, vector<16xf32>,
          tpu.vector_store %arg7[%swap3A_236, %swap3A_237], %broadcast_in_dim3A_1 {strides = array<i32>} : memref<256x256xf32, #tpu.memory_space<vmem>>, vector<16xf32>,
        }
        %scan3A_152 = arith.constant 64 : i32
        %dma_wait3A_153 = arith.constant 128 : i32
        %dma_wait3A_154 = arith.constant 0 : i32
        %dma_wait3A_155 = tpu.memref_slice %arg7[%dma_wait3A_153, %dma_wait3A_154] : memref<256x256xf32, #tpu.memory_space<vmem>> -> memref<64x256xf32, #tpu.memory_space<vmem>>
        %dma_wait3A_156 = arith.constant 128 : i32
        %dma_wait3A_157 = arith.constant 0 : i32
        %dma_wait3A_158 = tpu.memref_slice %arg4[%div3A_32, %rem3A_34, %dma_wait3A_156, %dma_wait3A_157] : memref<8x97x256x256xf32, #tpu.memory_space<hbm>> -> memref<1x1x64x256xf32, #tpu.memory_space<hbm>>
        %dma_wait3A_159 = tpu.memref_squeeze %dma_wait3A_158 : memref<1x1x64x256xf32, #tpu.memory_space<hbm>> -> memref<64x256xf32, #tpu.memory_space<hbm>>
        %dma_wait3A_160 = arith.constant 128 : i32
        %dma_wait3A_161 = arith.constant 0 : i32
        %dma_wait3A_162 = tpu.memref_slice %arg4[%div3A_32, %rem3A_34, %dma_wait3A_160, %dma_wait3A_161] : memref<8x97x256x256xf32, #tpu.memory_space<hbm>> -> memref<1x1x64x256xf32, #tpu.memory_space<hbm>>
        %dma_wait3A_163 = tpu.memref_squeeze %dma_wait3A_162 : memref<1x1x64x256xf32, #tpu.memory_space<hbm>> -> memref<64x256xf32, #tpu.memory_space<hbm>>
        %dma_wait3A_164 = arith.constant 128 : i32
        %dma_wait3A_165 = arith.constant 0 : i32
        %dma_wait3A_166 = tpu.memref_slice %arg7[%dma_wait3A_164, %dma_wait3A_165] : memref<256x256xf32, #tpu.memory_space<vmem>> -> memref<64x256xf32, #tpu.memory_space<vmem>>
        tpu.wait_dma2 semaphore(%arg12 : memref<!tpu.dma_semaphore, #tpu.memory_space<semaphore_mem>>) src(%dma_wait3A_166 : memref<64x256xf32, #tpu.memory_space<vmem>>) dst(%dma_wait3A_163 : memref<64x256xf32, #tpu.memory_space<hbm>>)
        %scan3A_167 = arith.constant 128 : i32
        %scan3A_168 = arith.constant 64 : i32
        %scan3A_169 = arith.addi %scan3A_167, %scan3A_168 : i32
        %scan3A_170 = arith.constant 1 : i32
        scf.for %scan3A_191 = %scan3A_167 to %scan3A_169 step %scan3A_170  : i32 {
          %swap3A = arith.index_cast %scan3A_191 : i32 to index
          %swap3A_192 = arith.constant 0 : index
          %swap3A_193 = tpu.vector_load %arg7[%swap3A, %swap3A_192] {strides = array<i32>} : memref<256x256xf32, #tpu.memory_space<vmem>>, vector<16xf32>,
          tpu.vector_store %arg7[%swap3A, %swap3A_192], %broadcast_in_dim3A_1 {strides = array<i32>} : memref<256x256xf32, #tpu.memory_space<vmem>>, vector<16xf32>,
          %swap3A_194 = arith.index_cast %scan3A_191 : i32 to index
          %swap3A_195 = arith.constant 16 : index
          %swap3A_196 = tpu.vector_load %arg7[%swap3A_194, %swap3A_195] {strides = array<i32>} : memref<256x256xf32, #tpu.memory_space<vmem>>, vector<16xf32>,
          tpu.vector_store %arg7[%swap3A_194, %swap3A_195], %broadcast_in_dim3A_1 {strides = array<i32>} : memref<256x256xf32, #tpu.memory_space<vmem>>, vector<16xf32>,
          %swap3A_197 = arith.index_cast %scan3A_191 : i32 to index
          %swap3A_198 = arith.constant 32 : index
          %swap3A_199 = tpu.vector_load %arg7[%swap3A_197, %swap3A_198] {strides = array<i32>} : memref<256x256xf32, #tpu.memory_space<vmem>>, vector<16xf32>,
          tpu.vector_store %arg7[%swap3A_197, %swap3A_198], %broadcast_in_dim3A_1 {strides = array<i32>} : memref<256x256xf32, #tpu.memory_space<vmem>>, vector<16xf32>,
          %swap3A_200 = arith.index_cast %scan3A_191 : i32 to index
          %swap3A_201 = arith.constant 48 : index
          %swap3A_202 = tpu.vector_load %arg7[%swap3A_200, %swap3A_201] {strides = array<i32>} : memref<256x256xf32, #tpu.memory_space<vmem>>, vector<16xf32>,
          tpu.vector_store %arg7[%swap3A_200, %swap3A_201], %broadcast_in_dim3A_1 {strides = array<i32>} : memref<256x256xf32, #tpu.memory_space<vmem>>, vector<16xf32>,
          %swap3A_203 = arith.index_cast %scan3A_191 : i32 to index
          %swap3A_204 = arith.constant 64 : index
          %swap3A_205 = tpu.vector_load %arg7[%swap3A_203, %swap3A_204] {strides = array<i32>} : memref<256x256xf32, #tpu.memory_space<vmem>>, vector<16xf32>,
          tpu.vector_store %arg7[%swap3A_203, %swap3A_204], %broadcast_in_dim3A_1 {strides = array<i32>} : memref<256x256xf32, #tpu.memory_space<vmem>>, vector<16xf32>,
          %swap3A_206 = arith.index_cast %scan3A_191 : i32 to index
          %swap3A_207 = arith.constant 80 : index
          %swap3A_208 = tpu.vector_load %arg7[%swap3A_206, %swap3A_207] {strides = array<i32>} : memref<256x256xf32, #tpu.memory_space<vmem>>, vector<16xf32>,
          tpu.vector_store %arg7[%swap3A_206, %swap3A_207], %broadcast_in_dim3A_1 {strides = array<i32>} : memref<256x256xf32, #tpu.memory_space<vmem>>, vector<16xf32>,
          %swap3A_209 = arith.index_cast %scan3A_191 : i32 to index
          %swap3A_210 = arith.constant 96 : index
          %swap3A_211 = tpu.vector_load %arg7[%swap3A_209, %swap3A_210] {strides = array<i32>} : memref<256x256xf32, #tpu.memory_space<vmem>>, vector<16xf32>,
          tpu.vector_store %arg7[%swap3A_209, %swap3A_210], %broadcast_in_dim3A_1 {strides = array<i32>} : memref<256x256xf32, #tpu.memory_space<vmem>>, vector<16xf32>,
          %swap3A_212 = arith.index_cast %scan3A_191 : i32 to index
          %swap3A_213 = arith.constant 112 : index
          %swap3A_214 = tpu.vector_load %arg7[%swap3A_212, %swap3A_213] {strides = array<i32>} : memref<256x256xf32, #tpu.memory_space<vmem>>, vector<16xf32>,
          tpu.vector_store %arg7[%swap3A_212, %swap3A_213], %broadcast_in_dim3A_1 {strides = array<i32>} : memref<256x256xf32, #tpu.memory_space<vmem>>, vector<16xf32>,
          %swap3A_215 = arith.index_cast %scan3A_191 : i32 to index
          %swap3A_216 = arith.constant 128 : index
          %swap3A_217 = tpu.vector_load %arg7[%swap3A_215, %swap3A_216] {strides = array<i32>} : memref<256x256xf32, #tpu.memory_space<vmem>>, vector<16xf32>,
          tpu.vector_store %arg7[%swap3A_215, %swap3A_216], %broadcast_in_dim3A_1 {strides = array<i32>} : memref<256x256xf32, #tpu.memory_space<vmem>>, vector<16xf32>,
          %swap3A_218 = arith.index_cast %scan3A_191 : i32 to index
          %swap3A_219 = arith.constant 144 : index
          %swap3A_220 = tpu.vector_load %arg7[%swap3A_218, %swap3A_219] {strides = array<i32>} : memref<256x256xf32, #tpu.memory_space<vmem>>, vector<16xf32>,
          tpu.vector_store %arg7[%swap3A_218, %swap3A_219], %broadcast_in_dim3A_1 {strides = array<i32>} : memref<256x256xf32, #tpu.memory_space<vmem>>, vector<16xf32>,
          %swap3A_221 = arith.index_cast %scan3A_191 : i32 to index
          %swap3A_222 = arith.constant 160 : index
          %swap3A_223 = tpu.vector_load %arg7[%swap3A_221, %swap3A_222] {strides = array<i32>} : memref<256x256xf32, #tpu.memory_space<vmem>>, vector<16xf32>,
          tpu.vector_store %arg7[%swap3A_221, %swap3A_222], %broadcast_in_dim3A_1 {strides = array<i32>} : memref<256x256xf32, #tpu.memory_space<vmem>>, vector<16xf32>,
          %swap3A_224 = arith.index_cast %scan3A_191 : i32 to index
          %swap3A_225 = arith.constant 176 : index
          %swap3A_226 = tpu.vector_load %arg7[%swap3A_224, %swap3A_225] {strides = array<i32>} : memref<256x256xf32, #tpu.memory_space<vmem>>, vector<16xf32>,
          tpu.vector_store %arg7[%swap3A_224, %swap3A_225], %broadcast_in_dim3A_1 {strides = array<i32>} : memref<256x256xf32, #tpu.memory_space<vmem>>, vector<16xf32>,
          %swap3A_227 = arith.index_cast %scan3A_191 : i32 to index
          %swap3A_228 = arith.constant 192 : index
          %swap3A_229 = tpu.vector_load %arg7[%swap3A_227, %swap3A_228] {strides = array<i32>} : memref<256x256xf32, #tpu.memory_space<vmem>>, vector<16xf32>,
          tpu.vector_store %arg7[%swap3A_227, %swap3A_228], %broadcast_in_dim3A_1 {strides = array<i32>} : memref<256x256xf32, #tpu.memory_space<vmem>>, vector<16xf32>,
          %swap3A_230 = arith.index_cast %scan3A_191 : i32 to index
          %swap3A_231 = arith.constant 208 : index
          %swap3A_232 = tpu.vector_load %arg7[%swap3A_230, %swap3A_231] {strides = array<i32>} : memref<256x256xf32, #tpu.memory_space<vmem>>, vector<16xf32>,
          tpu.vector_store %arg7[%swap3A_230, %swap3A_231], %broadcast_in_dim3A_1 {strides = array<i32>} : memref<256x256xf32, #tpu.memory_space<vmem>>, vector<16xf32>,
          %swap3A_233 = arith.index_cast %scan3A_191 : i32 to index
          %swap3A_234 = arith.constant 224 : index
          %swap3A_235 = tpu.vector_load %arg7[%swap3A_233, %swap3A_234] {strides = array<i32>} : memref<256x256xf32, #tpu.memory_space<vmem>>, vector<16xf32>,
          tpu.vector_store %arg7[%swap3A_233, %swap3A_234], %broadcast_in_dim3A_1 {strides = array<i32>} : memref<256x256xf32, #tpu.memory_space<vmem>>, vector<16xf32>,
          %swap3A_236 = arith.index_cast %scan3A_191 : i32 to index
          %swap3A_237 = arith.constant 240 : index
          %swap3A_238 = tpu.vector_load %arg7[%swap3A_236, %swap3A_237] {strides = array<i32>} : memref<256x256xf32, #tpu.memory_space<vmem>>, vector<16xf32>,
          tpu.vector_store %arg7[%swap3A_236, %swap3A_237], %broadcast_in_dim3A_1 {strides = array<i32>} : memref<256x256xf32, #tpu.memory_space<vmem>>, vector<16xf32>,
        }
        %scan3A_171 = arith.constant 64 : i32
        %dma_wait3A_172 = arith.constant 192 : i32
        %dma_wait3A_173 = arith.constant 0 : i32
        %dma_wait3A_174 = tpu.memref_slice %arg7[%dma_wait3A_172, %dma_wait3A_173] : memref<256x256xf32, #tpu.memory_space<vmem>> -> memref<64x256xf32, #tpu.memory_space<vmem>>
        %dma_wait3A_175 = arith.constant 192 : i32
        %dma_wait3A_176 = arith.constant 0 : i32
        %dma_wait3A_177 = tpu.memref_slice %arg4[%div3A_32, %rem3A_34, %dma_wait3A_175, %dma_wait3A_176] : memref<8x97x256x256xf32, #tpu.memory_space<hbm>> -> memref<1x1x64x256xf32, #tpu.memory_space<hbm>>
        %dma_wait3A_178 = tpu.memref_squeeze %dma_wait3A_177 : memref<1x1x64x256xf32, #tpu.memory_space<hbm>> -> memref<64x256xf32, #tpu.memory_space<hbm>>
        %dma_wait3A_179 = arith.constant 192 : i32
        %dma_wait3A_180 = arith.constant 0 : i32
        %dma_wait3A_181 = tpu.memref_slice %arg4[%div3A_32, %rem3A_34, %dma_wait3A_179, %dma_wait3A_180] : memref<8x97x256x256xf32, #tpu.memory_space<hbm>> -> memref<1x1x64x256xf32, #tpu.memory_space<hbm>>
        %dma_wait3A_182 = tpu.memref_squeeze %dma_wait3A_181 : memref<1x1x64x256xf32, #tpu.memory_space<hbm>> -> memref<64x256xf32, #tpu.memory_space<hbm>>
        %dma_wait3A_183 = arith.constant 192 : i32
        %dma_wait3A_184 = arith.constant 0 : i32
        %dma_wait3A_185 = tpu.memref_slice %arg7[%dma_wait3A_183, %dma_wait3A_184] : memref<256x256xf32, #tpu.memory_space<vmem>> -> memref<64x256xf32, #tpu.memory_space<vmem>>
        tpu.wait_dma2 semaphore(%arg13 : memref<!tpu.dma_semaphore, #tpu.memory_space<semaphore_mem>>) src(%dma_wait3A_185 : memref<64x256xf32, #tpu.memory_space<vmem>>) dst(%dma_wait3A_182 : memref<64x256xf32, #tpu.memory_space<hbm>>)
        %scan3A_186 = arith.constant 192 : i32
        %scan3A_187 = arith.constant 64 : i32
        %scan3A_188 = arith.addi %scan3A_186, %scan3A_187 : i32
        %scan3A_189 = arith.constant 1 : i32
        scf.for %scan3A_191 = %scan3A_186 to %scan3A_188 step %scan3A_189  : i32 {
          %swap3A = arith.index_cast %scan3A_191 : i32 to index
          %swap3A_192 = arith.constant 0 : index
          %swap3A_193 = tpu.vector_load %arg7[%swap3A, %swap3A_192] {strides = array<i32>} : memref<256x256xf32, #tpu.memory_space<vmem>>, vector<16xf32>,
          tpu.vector_store %arg7[%swap3A, %swap3A_192], %broadcast_in_dim3A_1 {strides = array<i32>} : memref<256x256xf32, #tpu.memory_space<vmem>>, vector<16xf32>,
          %swap3A_194 = arith.index_cast %scan3A_191 : i32 to index
          %swap3A_195 = arith.constant 16 : index
          %swap3A_196 = tpu.vector_load %arg7[%swap3A_194, %swap3A_195] {strides = array<i32>} : memref<256x256xf32, #tpu.memory_space<vmem>>, vector<16xf32>,
          tpu.vector_store %arg7[%swap3A_194, %swap3A_195], %broadcast_in_dim3A_1 {strides = array<i32>} : memref<256x256xf32, #tpu.memory_space<vmem>>, vector<16xf32>,
          %swap3A_197 = arith.index_cast %scan3A_191 : i32 to index
          %swap3A_198 = arith.constant 32 : index
          %swap3A_199 = tpu.vector_load %arg7[%swap3A_197, %swap3A_198] {strides = array<i32>} : memref<256x256xf32, #tpu.memory_space<vmem>>, vector<16xf32>,
          tpu.vector_store %arg7[%swap3A_197, %swap3A_198], %broadcast_in_dim3A_1 {strides = array<i32>} : memref<256x256xf32, #tpu.memory_space<vmem>>, vector<16xf32>,
          %swap3A_200 = arith.index_cast %scan3A_191 : i32 to index
          %swap3A_201 = arith.constant 48 : index
          %swap3A_202 = tpu.vector_load %arg7[%swap3A_200, %swap3A_201] {strides = array<i32>} : memref<256x256xf32, #tpu.memory_space<vmem>>, vector<16xf32>,
          tpu.vector_store %arg7[%swap3A_200, %swap3A_201], %broadcast_in_dim3A_1 {strides = array<i32>} : memref<256x256xf32, #tpu.memory_space<vmem>>, vector<16xf32>,
          %swap3A_203 = arith.index_cast %scan3A_191 : i32 to index
          %swap3A_204 = arith.constant 64 : index
          %swap3A_205 = tpu.vector_load %arg7[%swap3A_203, %swap3A_204] {strides = array<i32>} : memref<256x256xf32, #tpu.memory_space<vmem>>, vector<16xf32>,
          tpu.vector_store %arg7[%swap3A_203, %swap3A_204], %broadcast_in_dim3A_1 {strides = array<i32>} : memref<256x256xf32, #tpu.memory_space<vmem>>, vector<16xf32>,
          %swap3A_206 = arith.index_cast %scan3A_191 : i32 to index
          %swap3A_207 = arith.constant 80 : index
          %swap3A_208 = tpu.vector_load %arg7[%swap3A_206, %swap3A_207] {strides = array<i32>} : memref<256x256xf32, #tpu.memory_space<vmem>>, vector<16xf32>,
          tpu.vector_store %arg7[%swap3A_206, %swap3A_207], %broadcast_in_dim3A_1 {strides = array<i32>} : memref<256x256xf32, #tpu.memory_space<vmem>>, vector<16xf32>,
          %swap3A_209 = arith.index_cast %scan3A_191 : i32 to index
          %swap3A_210 = arith.constant 96 : index
          %swap3A_211 = tpu.vector_load %arg7[%swap3A_209, %swap3A_210] {strides = array<i32>} : memref<256x256xf32, #tpu.memory_space<vmem>>, vector<16xf32>,
          tpu.vector_store %arg7[%swap3A_209, %swap3A_210], %broadcast_in_dim3A_1 {strides = array<i32>} : memref<256x256xf32, #tpu.memory_space<vmem>>, vector<16xf32>,
          %swap3A_212 = arith.index_cast %scan3A_191 : i32 to index
          %swap3A_213 = arith.constant 112 : index
          %swap3A_214 = tpu.vector_load %arg7[%swap3A_212, %swap3A_213] {strides = array<i32>} : memref<256x256xf32, #tpu.memory_space<vmem>>, vector<16xf32>,
          tpu.vector_store %arg7[%swap3A_212, %swap3A_213], %broadcast_in_dim3A_1 {strides = array<i32>} : memref<256x256xf32, #tpu.memory_space<vmem>>, vector<16xf32>,
          %swap3A_215 = arith.index_cast %scan3A_191 : i32 to index
          %swap3A_216 = arith.constant 128 : index
          %swap3A_217 = tpu.vector_load %arg7[%swap3A_215, %swap3A_216] {strides = array<i32>} : memref<256x256xf32, #tpu.memory_space<vmem>>, vector<16xf32>,
          tpu.vector_store %arg7[%swap3A_215, %swap3A_216], %broadcast_in_dim3A_1 {strides = array<i32>} : memref<256x256xf32, #tpu.memory_space<vmem>>, vector<16xf32>,
          %swap3A_218 = arith.index_cast %scan3A_191 : i32 to index
          %swap3A_219 = arith.constant 144 : index
          %swap3A_220 = tpu.vector_load %arg7[%swap3A_218, %swap3A_219] {strides = array<i32>} : memref<256x256xf32, #tpu.memory_space<vmem>>, vector<16xf32>,
          tpu.vector_store %arg7[%swap3A_218, %swap3A_219], %broadcast_in_dim3A_1 {strides = array<i32>} : memref<256x256xf32, #tpu.memory_space<vmem>>, vector<16xf32>,
          %swap3A_221 = arith.index_cast %scan3A_191 : i32 to index
          %swap3A_222 = arith.constant 160 : index
          %swap3A_223 = tpu.vector_load %arg7[%swap3A_221, %swap3A_222] {strides = array<i32>} : memref<256x256xf32, #tpu.memory_space<vmem>>, vector<16xf32>,
          tpu.vector_store %arg7[%swap3A_221, %swap3A_222], %broadcast_in_dim3A_1 {strides = array<i32>} : memref<256x256xf32, #tpu.memory_space<vmem>>, vector<16xf32>,
          %swap3A_224 = arith.index_cast %scan3A_191 : i32 to index
          %swap3A_225 = arith.constant 176 : index
          %swap3A_226 = tpu.vector_load %arg7[%swap3A_224, %swap3A_225] {strides = array<i32>} : memref<256x256xf32, #tpu.memory_space<vmem>>, vector<16xf32>,
          tpu.vector_store %arg7[%swap3A_224, %swap3A_225], %broadcast_in_dim3A_1 {strides = array<i32>} : memref<256x256xf32, #tpu.memory_space<vmem>>, vector<16xf32>,
          %swap3A_227 = arith.index_cast %scan3A_191 : i32 to index
          %swap3A_228 = arith.constant 192 : index
          %swap3A_229 = tpu.vector_load %arg7[%swap3A_227, %swap3A_228] {strides = array<i32>} : memref<256x256xf32, #tpu.memory_space<vmem>>, vector<16xf32>,
          tpu.vector_store %arg7[%swap3A_227, %swap3A_228], %broadcast_in_dim3A_1 {strides = array<i32>} : memref<256x256xf32, #tpu.memory_space<vmem>>, vector<16xf32>,
          %swap3A_230 = arith.index_cast %scan3A_191 : i32 to index
          %swap3A_231 = arith.constant 208 : index
          %swap3A_232 = tpu.vector_load %arg7[%swap3A_230, %swap3A_231] {strides = array<i32>} : memref<256x256xf32, #tpu.memory_space<vmem>>, vector<16xf32>,
          tpu.vector_store %arg7[%swap3A_230, %swap3A_231], %broadcast_in_dim3A_1 {strides = array<i32>} : memref<256x256xf32, #tpu.memory_space<vmem>>, vector<16xf32>,
          %swap3A_233 = arith.index_cast %scan3A_191 : i32 to index
          %swap3A_234 = arith.constant 224 : index
          %swap3A_235 = tpu.vector_load %arg7[%swap3A_233, %swap3A_234] {strides = array<i32>} : memref<256x256xf32, #tpu.memory_space<vmem>>, vector<16xf32>,
          tpu.vector_store %arg7[%swap3A_233, %swap3A_234], %broadcast_in_dim3A_1 {strides = array<i32>} : memref<256x256xf32, #tpu.memory_space<vmem>>, vector<16xf32>,
          %swap3A_236 = arith.index_cast %scan3A_191 : i32 to index
          %swap3A_237 = arith.constant 240 : index
          %swap3A_238 = tpu.vector_load %arg7[%swap3A_236, %swap3A_237] {strides = array<i32>} : memref<256x256xf32, #tpu.memory_space<vmem>>, vector<16xf32>,
          tpu.vector_store %arg7[%swap3A_236, %swap3A_237], %broadcast_in_dim3A_1 {strides = array<i32>} : memref<256x256xf32, #tpu.memory_space<vmem>>, vector<16xf32>,
        }
        %scan3A_190 = arith.constant 64 : i32
      } else {
      }
    }
    %scan3A_24 = arith.constant 25 : i32
    return
  }
}

module attributes {stable_mosaic.version = 14 : i64} {
  func.func @_prep_body(%arg0: i32, %arg1: memref<1x16384x96xf32, #tpu.memory_space<vmem>>, %arg2: memref<1x2x16384xf32, #tpu.memory_space<vmem>>, %arg3: memref<2x1xf32, #tpu.memory_space<vmem>>, %arg4: memref<1x1x16384xi32, #tpu.memory_space<vmem>>, %arg5: memref<1x97x16384xf32, #tpu.memory_space<vmem>>) attributes {dimension_semantics = [#tpu.dimension_semantics<arbitrary>], iteration_bounds = array<i64: 8>, scalar_prefetch = 0 : i64, scratch_operands = 0 : i64, tpu.core_type = #tpu.core_type<tc>, window_params = [{transform_indices = @transform_0, window_bounds = array<i64: 1, 16384, 96>}, {transform_indices = @transform_1, window_bounds = array<i64: 1, 2, 16384>}, {pipeline_mode = #tpu.pipeline_mode<synchronous>, transform_indices = @transform_2, window_bounds = array<i64: 2, 1>}, {transform_indices = @transform_3, window_bounds = array<i64: 1, 1, 16384>}, {transform_indices = @transform_4, window_bounds = array<i64: 1, 97, 16384>}]} {
    %get3A = arith.constant 0 : index
    %get3A_0 = arith.constant 0 : index
    %get3A_1 = arith.constant 0 : index
    %get3A_2 = vector.load %arg1[%get3A, %get3A_0, %get3A_1] : memref<1x16384x96xf32, #tpu.memory_space<vmem>>, vector<1x16384x96xf32>
    %get3A_3 = vector.shape_cast %get3A_2 : vector<1x16384x96xf32> to vector<16384x96xf32>
    %iota3A = tpu.iota {dimensions = array<i32: 0>} : vector<96x96xi32>
    %iota3A_4 = tpu.iota {dimensions = array<i32: 1>} : vector<96x96xi32>
    %eq3A = arith.cmpi eq, %iota3A, %iota3A_4 : vector<96x96xi32>
    %convert_element_type3A = arith.extui %eq3A : vector<96x96xi1> to vector<96x96xi32>
    %convert_element_type3A_5 = arith.sitofp %convert_element_type3A : vector<96x96xi32> to vector<96x96xf32>
    %dot_general3A = arith.constant dense<0.000000e+00> : vector<96x16384xf32>
    %dot_general3A_6 = tpu.matmul %convert_element_type3A_5, %get3A_3, %dot_general3A {dimension_numbers = #tpu.dot_dimension_numbers<[1], [1], [0], [0], [0, 0, 1, 0], [], []>, precision = #tpu.contract_precision<fp32>, transpose_lhs_hint = false} : vector<96x96xf32>, vector<16384x96xf32>, vector<96x16384xf32> -> vector<96x16384xf32>
    %broadcast_in_dim3A = arith.constant 1.000000e+00 : f32
    %broadcast_in_dim3A_7 = vector.broadcast %broadcast_in_dim3A : f32 to vector<1x16384xf32>
    %concatenate3A = tpu.concatenate %dot_general3A_6, %broadcast_in_dim3A_7 in 0 : vector<96x16384xf32>, vector<1x16384xf32> -> vector<97x16384xf32>
    %swap3A = arith.constant 0 : index
    %swap3A_8 = arith.constant 0 : index
    %swap3A_9 = arith.constant 0 : index
    %swap3A_10 = vector.load %arg5[%swap3A, %swap3A_8, %swap3A_9] : memref<1x97x16384xf32, #tpu.memory_space<vmem>>, vector<1x97x16384xf32>
    %swap3A_11 = vector.shape_cast %swap3A_10 : vector<1x97x16384xf32> to vector<97x16384xf32>
    %swap3A_12 = vector.shape_cast %concatenate3A : vector<97x16384xf32> to vector<1x97x16384xf32>
    tpu.vector_store %arg5[%swap3A, %swap3A_8, %swap3A_9], %swap3A_12 {strides = array<i32>} : memref<1x97x16384xf32, #tpu.memory_space<vmem>>, vector<1x97x16384xf32>,
    %get3A_13 = arith.constant 0 : index
    %get3A_14 = arith.constant 0 : index
    %get3A_15 = arith.constant 0 : index
    %get3A_16 = vector.load %arg2[%get3A_13, %get3A_14, %get3A_15] : memref<1x2x16384xf32, #tpu.memory_space<vmem>>, vector<1x2x16384xf32>
    %get3A_17 = vector.shape_cast %get3A_16 : vector<1x2x16384xf32> to vector<2x16384xf32>
    %jit3A = arith.constant -1.000000e+00 : f32
    %jit3A_18 = arith.constant 1.000000e+00 : f32
    %max3A = vector.broadcast %jit3A : f32 to vector<2x16384xf32>
    %max3A_19 = arith.maximumf %max3A, %get3A_17 : vector<2x16384xf32>
    %min3A = vector.broadcast %jit3A_18 : f32 to vector<2x16384xf32>
    %min3A_20 = arith.minimumf %min3A, %max3A_19 : vector<2x16384xf32>
    %get3A_21 = arith.constant 0 : index
    %get3A_22 = arith.constant 0 : index
    %get3A_23 = vector.load %arg3[%get3A_21, %get3A_22] : memref<2x1xf32, #tpu.memory_space<vmem>>, vector<2x1xf32>
    %add3A = arith.constant 1.000000e+00 : f32
    %add3A_24 = vector.broadcast %add3A : f32 to vector<2x16384xf32>
    %add3A_25 = arith.addf %min3A_20, %add3A_24 : vector<2x16384xf32>
    %mul3A = arith.constant 5.000000e-01 : f32
    %mul3A_26 = vector.broadcast %mul3A : f32 to vector<2x16384xf32>
    %mul3A_27 = arith.mulf %mul3A_26, %add3A_25 : vector<2x16384xf32>
    %mul3A_28 = vector.broadcast %get3A_23 : vector<2x1xf32> to vector<2x16384xf32>
    %mul3A_29 = arith.mulf %mul3A_27, %mul3A_28 : vector<2x16384xf32>
    %sub3A = arith.constant 5.000000e-01 : f32
    %sub3A_30 = vector.broadcast %sub3A : f32 to vector<2x16384xf32>
    %sub3A_31 = arith.subf %mul3A_29, %sub3A_30 : vector<2x16384xf32>
    %round3A = math.roundeven %sub3A_31 : vector<2x16384xf32>
    %convert_element_type3A_32 = arith.fptosi %round3A : vector<2x16384xf32> to vector<2x16384xi32>
    %convert_element_type3A_33 = arith.fptosi %get3A_23 : vector<2x1xf32> to vector<2x1xi32>
    %sub3A_34 = arith.constant 1 : i32
    %sub3A_35 = vector.broadcast %sub3A_34 : i32 to vector<2x1xi32>
    %sub3A_36 = arith.subi %convert_element_type3A_33, %sub3A_35 : vector<2x1xi32>
    %jit3A_37 = arith.constant 0 : i32
    %max3A_38 = vector.broadcast %jit3A_37 : i32 to vector<2x16384xi32>
    %max3A_39 = arith.maxsi %max3A_38, %convert_element_type3A_32 : vector<2x16384xi32>
    %min3A_40 = vector.broadcast %sub3A_36 : vector<2x1xi32> to vector<2x16384xi32>
    %min3A_41 = arith.minsi %min3A_40, %max3A_39 : vector<2x16384xi32>
    %broadcast_in_dim3A_42 = arith.constant 1 : i32
    %broadcast_in_dim3A_43 = vector.broadcast %broadcast_in_dim3A_42 : i32 to vector<1x1xi32>
    %convert_element_type3A_44 = arith.fptosi %get3A_23 : vector<2x1xf32> to vector<2x1xi32>
    %slice3A = vector.extract_strided_slice %convert_element_type3A_44 {offsets = [0, 0], sizes = [1, 1], strides = [1, 1]} : vector<2x1xi32> to vector<1x1xi32>
    %concatenate3A_45 = tpu.concatenate %broadcast_in_dim3A_43, %slice3A in 0 : vector<1x1xi32>, vector<1x1xi32> -> vector<2x1xi32>
    %mul3A_46 = vector.broadcast %concatenate3A_45 : vector<2x1xi32> to vector<2x16384xi32>
    %mul3A_47 = arith.muli %min3A_41, %mul3A_46 : vector<2x16384xi32>
    %reduce_sum3A = arith.constant dense<0> : vector<16384xi32>
    %reduce_sum3A_48 = vector.multi_reduction <add>, %mul3A_47, %reduce_sum3A [0] : vector<2x16384xi32> to vector<16384xi32>
    %swap3A_49 = arith.constant 0 : index
    %swap3A_50 = arith.constant 0 : index
    %swap3A_51 = arith.constant 0 : index
    %swap3A_52 = vector.load %arg4[%swap3A_49, %swap3A_50, %swap3A_51] : memref<1x1x16384xi32, #tpu.memory_space<vmem>>, vector<1x1x16384xi32>
    %swap3A_53 = vector.shape_cast %swap3A_52 : vector<1x1x16384xi32> to vector<16384xi32>
    %swap3A_54 = vector.shape_cast %reduce_sum3A_48 : vector<16384xi32> to vector<1x1x16384xi32>
    tpu.vector_store %arg4[%swap3A_49, %swap3A_50, %swap3A_51], %swap3A_54 {strides = array<i32>} : memref<1x1x16384xi32, #tpu.memory_space<vmem>>, vector<1x1x16384xi32>,
    return
  }
  func.func @transform_0(%arg0: i32) -> (i32, i32, i32) {
    %c0_i32 = arith.constant 0 : i32
    %c0_i32_0 = arith.constant 0 : i32
    %c0_i32_1 = arith.constant 0 : i32
    return %arg0, %c0_i32, %c0_i32_0 : i32, i32, i32
  }
  func.func @transform_1(%arg0: i32) -> (i32, i32, i32) {
    %c0_i32 = arith.constant 0 : i32
    %c0_i32_0 = arith.constant 0 : i32
    %c0_i32_1 = arith.constant 0 : i32
    return %arg0, %c0_i32, %c0_i32_0 : i32, i32, i32
  }
  func.func @transform_2(%arg0: i32) -> (i32, i32) {
    %c0_i32 = arith.constant 0 : i32
    %c0_i32_0 = arith.constant 0 : i32
    %c0_i32_1 = arith.constant 0 : i32
    return %c0_i32, %c0_i32_0 : i32, i32
  }
  func.func @transform_3(%arg0: i32) -> (i32, i32, i32) {
    %c0_i32 = arith.constant 0 : i32
    %c0_i32_0 = arith.constant 0 : i32
    %c0_i32_1 = arith.constant 0 : i32
    return %arg0, %c0_i32, %c0_i32_0 : i32, i32, i32
  }
  func.func @transform_4(%arg0: i32) -> (i32, i32, i32) {
    %c0_i32 = arith.constant 0 : i32
    %c0_i32_0 = arith.constant 0 : i32
    %c0_i32_1 = arith.constant 0 : i32
    return %arg0, %c0_i32, %c0_i32_0 : i32, i32, i32
  }
}

module attributes {stable_mosaic.version = 14 : i64} {
  func.func @_finish_body(%arg0: i32, %arg1: i32, %arg2: memref<1x12x256x256xf32, #tpu.memory_space<vmem>>, %arg3: memref<1x1x256x256xf32, #tpu.memory_space<vmem>>, %arg4: memref<1x12x256x256xf32, #tpu.memory_space<vmem>>) attributes {dimension_semantics = [#tpu.dimension_semantics<arbitrary>, #tpu.dimension_semantics<arbitrary>], iteration_bounds = array<i64: 8, 8>, scalar_prefetch = 0 : i64, scratch_operands = 0 : i64, tpu.core_type = #tpu.core_type<tc>, window_params = [{transform_indices = @transform_0, window_bounds = array<i64: 1, 12, 256, 256>}, {transform_indices = @transform_1, window_bounds = array<i64: 1, 1, 256, 256>}, {transform_indices = @transform_2, window_bounds = array<i64: 1, 12, 256, 256>}]} {
    %iota3A = tpu.iota {dimensions = array<i32: 0>} : vector<256x256xi32>
    %iota3A_0 = tpu.iota {dimensions = array<i32: 1>} : vector<256x256xi32>
    %sub3A = arith.subi %iota3A, %iota3A_0 : vector<256x256xi32>
    %eq3A = arith.constant 0 : i32
    %eq3A_1 = vector.broadcast %eq3A : i32 to vector<256x256xi32>
    %eq3A_2 = arith.cmpi eq, %sub3A, %eq3A_1 : vector<256x256xi32>
    %convert_element_type3A = arith.extui %eq3A_2 : vector<256x256xi1> to vector<256x256xi32>
    %convert_element_type3A_3 = arith.sitofp %convert_element_type3A : vector<256x256xi32> to vector<256x256xf32>
    %mul3A = arith.constant 0.361664474 : f32
    %mul3A_4 = vector.broadcast %mul3A : f32 to vector<256x256xf32>
    %mul3A_5 = arith.mulf %mul3A_4, %convert_element_type3A_3 : vector<256x256xf32>
    %abs3A = math.absi %sub3A : vector<256x256xi32>
    %eq3A_6 = arith.constant 1 : i32
    %eq3A_7 = vector.broadcast %eq3A_6 : i32 to vector<256x256xi32>
    %eq3A_8 = arith.cmpi eq, %abs3A, %eq3A_7 : vector<256x256xi32>
    %convert_element_type3A_9 = arith.extui %eq3A_8 : vector<256x256xi1> to vector<256x256xi32>
    %convert_element_type3A_10 = arith.sitofp %convert_element_type3A_9 : vector<256x256xi32> to vector<256x256xf32>
    %mul3A_11 = arith.constant 0.319167763 : f32
    %mul3A_12 = vector.broadcast %mul3A_11 : f32 to vector<256x256xf32>
    %mul3A_13 = arith.mulf %mul3A_12, %convert_element_type3A_10 : vector<256x256xf32>
    %add3A = arith.addf %mul3A_5, %mul3A_13 : vector<256x256xf32>
    %get3A = arith.constant 0 : index
    %get3A_14 = arith.constant 0 : index
    %get3A_15 = arith.constant 0 : index
    %get3A_16 = arith.constant 0 : index
    %get3A_17 = vector.load %arg3[%get3A, %get3A_14, %get3A_15, %get3A_16] : memref<1x1x256x256xf32, #tpu.memory_space<vmem>>, vector<1x1x256x256xf32>
    %get3A_18 = vector.shape_cast %get3A_17 : vector<1x1x256x256xf32> to vector<256x256xf32>
    %gt3A = arith.constant 0.000000e+00 : f32
    %gt3A_19 = vector.broadcast %gt3A : f32 to vector<256x256xf32>
    %gt3A_20 = arith.cmpf ogt, %get3A_18, %gt3A_19 : vector<256x256xf32>
    %convert_element_type3A_21 = arith.extui %gt3A_20 : vector<256x256xi1> to vector<256x256xi32>
    %convert_element_type3A_22 = arith.sitofp %convert_element_type3A_21 : vector<256x256xi32> to vector<256x256xf32>
    %add3A_23 = arith.constant 9.99999997E-7 : f32
    %add3A_24 = vector.broadcast %add3A_23 : f32 to vector<256x256xf32>
    %add3A_25 = arith.addf %get3A_18, %add3A_24 : vector<256x256xf32>
    %div3A = arith.divf %convert_element_type3A_22, %add3A_25 : vector<256x256xf32>
    %get3A_26 = arith.constant 0 : index
    %get3A_27 = arith.constant 0 : index
    %get3A_28 = arith.constant 0 : index
    %get3A_29 = arith.constant 0 : index
    %get3A_30 = vector.load %arg2[%get3A_26, %get3A_27, %get3A_28, %get3A_29] : memref<1x12x256x256xf32, #tpu.memory_space<vmem>>, vector<1x12x256x256xf32>
    %get3A_31 = vector.shape_cast %get3A_30 : vector<1x12x256x256xf32> to vector<12x256x256xf32>
    %broadcast_in_dim3A = vector.shape_cast %div3A : vector<256x256xf32> to vector<1x256x256xf32>
    %mul3A_32 = vector.broadcast %broadcast_in_dim3A : vector<1x256x256xf32> to vector<12x256x256xf32>
    %mul3A_33 = arith.mulf %get3A_31, %mul3A_32 : vector<12x256x256xf32>
    %jit3A = arith.constant 0 : i32
    %convert_element_type3A_34 = arith.sitofp %jit3A : i32 to f32
    %pad3A = vector.broadcast %convert_element_type3A_34 : f32 to vector<12x1x256xf32>
    %pad3A_35 = tpu.concatenate %pad3A, %mul3A_33 in 1 : vector<12x1x256xf32>, vector<12x256x256xf32> -> vector<12x257x256xf32>
    %pad3A_36 = vector.broadcast %convert_element_type3A_34 : f32 to vector<12x1x256xf32>
    %pad3A_37 = tpu.concatenate %pad3A_35, %pad3A_36 in 1 : vector<12x257x256xf32>, vector<12x1x256xf32> -> vector<12x258x256xf32>
    %slice3A = vector.extract_strided_slice %pad3A_37 {offsets = [0, 0, 0], sizes = [12, 256, 256], strides = [1, 1, 1]} : vector<12x258x256xf32> to vector<12x256x256xf32>
    %mul3A_38 = arith.constant 0.319167763 : f32
    %mul3A_39 = vector.broadcast %mul3A_38 : f32 to vector<12x256x256xf32>
    %mul3A_40 = arith.mulf %mul3A_39, %slice3A : vector<12x256x256xf32>
    %slice3A_41 = vector.extract_strided_slice %pad3A_37 {offsets = [0, 1, 0], sizes = [12, 256, 256], strides = [1, 1, 1]} : vector<12x258x256xf32> to vector<12x256x256xf32>
    %mul3A_42 = arith.constant 0.361664474 : f32
    %mul3A_43 = vector.broadcast %mul3A_42 : f32 to vector<12x256x256xf32>
    %mul3A_44 = arith.mulf %mul3A_43, %slice3A_41 : vector<12x256x256xf32>
    %add3A_45 = arith.addf %mul3A_40, %mul3A_44 : vector<12x256x256xf32>
    %slice3A_46 = vector.extract_strided_slice %pad3A_37 {offsets = [0, 2, 0], sizes = [12, 256, 256], strides = [1, 1, 1]} : vector<12x258x256xf32> to vector<12x256x256xf32>
    %mul3A_47 = arith.constant 0.319167763 : f32
    %mul3A_48 = vector.broadcast %mul3A_47 : f32 to vector<12x256x256xf32>
    %mul3A_49 = arith.mulf %mul3A_48, %slice3A_46 : vector<12x256x256xf32>
    %add3A_50 = arith.addf %add3A_45, %mul3A_49 : vector<12x256x256xf32>
    %dot_general3A = arith.constant dense<0.000000e+00> : vector<12x256x256xf32>
    %dot_general3A_51 = tpu.matmul %add3A_50, %add3A, %dot_general3A {dimension_numbers = #tpu.dot_dimension_numbers<[2], [0], [0, 1], [1], [0, 0, 0, 1, 1, 1], [], []>, precision = #tpu.contract_precision<fp32>, transpose_lhs_hint = false} : vector<12x256x256xf32>, vector<256x256xf32>, vector<12x256x256xf32> -> vector<12x256x256xf32>
    %broadcast_in_dim3A_52 = vector.shape_cast %convert_element_type3A_22 : vector<256x256xf32> to vector<1x256x256xf32>
    %jit3A_53 = arith.constant 0 : i32
    %convert_element_type3A_54 = arith.sitofp %jit3A_53 : i32 to f32
    %pad3A_55 = vector.broadcast %convert_element_type3A_54 : f32 to vector<1x1x256xf32>
    %pad3A_56 = tpu.concatenate %pad3A_55, %broadcast_in_dim3A_52 in 1 : vector<1x1x256xf32>, vector<1x256x256xf32> -> vector<1x257x256xf32>
    %pad3A_57 = vector.broadcast %convert_element_type3A_54 : f32 to vector<1x1x256xf32>
    %pad3A_58 = tpu.concatenate %pad3A_56, %pad3A_57 in 1 : vector<1x257x256xf32>, vector<1x1x256xf32> -> vector<1x258x256xf32>
    %slice3A_59 = vector.extract_strided_slice %pad3A_58 {offsets = [0, 0, 0], sizes = [1, 256, 256], strides = [1, 1, 1]} : vector<1x258x256xf32> to vector<1x256x256xf32>
    %mul3A_60 = arith.constant 0.319167763 : f32
    %mul3A_61 = vector.broadcast %mul3A_60 : f32 to vector<1x256x256xf32>
    %mul3A_62 = arith.mulf %mul3A_61, %slice3A_59 : vector<1x256x256xf32>
    %slice3A_63 = vector.extract_strided_slice %pad3A_58 {offsets = [0, 1, 0], sizes = [1, 256, 256], strides = [1, 1, 1]} : vector<1x258x256xf32> to vector<1x256x256xf32>
    %mul3A_64 = arith.constant 0.361664474 : f32
    %mul3A_65 = vector.broadcast %mul3A_64 : f32 to vector<1x256x256xf32>
    %mul3A_66 = arith.mulf %mul3A_65, %slice3A_63 : vector<1x256x256xf32>
    %add3A_67 = arith.addf %mul3A_62, %mul3A_66 : vector<1x256x256xf32>
    %slice3A_68 = vector.extract_strided_slice %pad3A_58 {offsets = [0, 2, 0], sizes = [1, 256, 256], strides = [1, 1, 1]} : vector<1x258x256xf32> to vector<1x256x256xf32>
    %mul3A_69 = arith.constant 0.319167763 : f32
    %mul3A_70 = vector.broadcast %mul3A_69 : f32 to vector<1x256x256xf32>
    %mul3A_71 = arith.mulf %mul3A_70, %slice3A_68 : vector<1x256x256xf32>
    %add3A_72 = arith.addf %add3A_67, %mul3A_71 : vector<1x256x256xf32>
    %dot_general3A_73 = arith.constant dense<0.000000e+00> : vector<1x256x256xf32>
    %dot_general3A_74 = tpu.matmul %add3A_72, %add3A, %dot_general3A_73 {dimension_numbers = #tpu.dot_dimension_numbers<[2], [0], [0, 1], [1], [0, 0, 0, 1, 1, 1], [], []>, precision = #tpu.contract_precision<fp32>, transpose_lhs_hint = false} : vector<1x256x256xf32>, vector<256x256xf32>, vector<1x256x256xf32> -> vector<1x256x256xf32>
    %gt3A_75 = arith.constant 0.000000e+00 : f32
    %gt3A_76 = vector.broadcast %gt3A_75 : f32 to vector<1x256x256xf32>
    %gt3A_77 = arith.cmpf ogt, %dot_general3A_74, %gt3A_76 : vector<1x256x256xf32>
    %convert_element_type3A_78 = arith.extui %gt3A_77 : vector<1x256x256xi1> to vector<1x256x256xi32>
    %convert_element_type3A_79 = arith.sitofp %convert_element_type3A_78 : vector<1x256x256xi32> to vector<1x256x256xf32>
    %add3A_80 = arith.constant 9.99999997E-7 : f32
    %add3A_81 = vector.broadcast %add3A_80 : f32 to vector<1x256x256xf32>
    %add3A_82 = arith.addf %dot_general3A_74, %add3A_81 : vector<1x256x256xf32>
    %div3A_83 = arith.divf %convert_element_type3A_79, %add3A_82 : vector<1x256x256xf32>
    %sub3A_84 = arith.constant 1.000000e+00 : f32
    %sub3A_85 = vector.broadcast %sub3A_84 : f32 to vector<256x256xf32>
    %sub3A_86 = arith.subf %sub3A_85, %convert_element_type3A_22 : vector<256x256xf32>
    %broadcast_in_dim3A_87 = vector.shape_cast %sub3A_86 : vector<256x256xf32> to vector<1x256x256xf32>
    %mul3A_88 = vector.broadcast %div3A_83 : vector<1x256x256xf32> to vector<12x256x256xf32>
    %mul3A_89 = arith.mulf %dot_general3A_51, %mul3A_88 : vector<12x256x256xf32>
    %mul3A_90 = vector.broadcast %broadcast_in_dim3A_87 : vector<1x256x256xf32> to vector<12x256x256xf32>
    %mul3A_91 = arith.mulf %mul3A_90, %mul3A_89 : vector<12x256x256xf32>
    %add3A_92 = arith.addf %mul3A_33, %mul3A_91 : vector<12x256x256xf32>
    %swap3A = arith.constant 0 : index
    %swap3A_93 = arith.constant 0 : index
    %swap3A_94 = arith.constant 0 : index
    %swap3A_95 = arith.constant 0 : index
    %swap3A_96 = vector.load %arg4[%swap3A, %swap3A_93, %swap3A_94, %swap3A_95] : memref<1x12x256x256xf32, #tpu.memory_space<vmem>>, vector<1x12x256x256xf32>
    %swap3A_97 = vector.shape_cast %swap3A_96 : vector<1x12x256x256xf32> to vector<12x256x256xf32>
    %swap3A_98 = vector.shape_cast %add3A_92 : vector<12x256x256xf32> to vector<1x12x256x256xf32>
    tpu.vector_store %arg4[%swap3A, %swap3A_93, %swap3A_94, %swap3A_95], %swap3A_98 {strides = array<i32>} : memref<1x12x256x256xf32, #tpu.memory_space<vmem>>, vector<1x12x256x256xf32>,
    return
  }
  func.func @transform_0(%arg0: i32, %arg1: i32) -> (i32, i32, i32, i32) {
    %c0_i32 = arith.constant 0 : i32
    %c0_i32_0 = arith.constant 0 : i32
    %c0_i32_1 = arith.constant 0 : i32
    return %arg0, %arg1, %c0_i32, %c0_i32_0 : i32, i32, i32, i32
  }
  func.func @transform_1(%arg0: i32, %arg1: i32) -> (i32, i32, i32, i32) {
    %c96_i32 = arith.constant 96 : i32
    %c0_i32 = arith.constant 0 : i32
    %c0_i32_0 = arith.constant 0 : i32
    %c0_i32_1 = arith.constant 0 : i32
    return %arg0, %c96_i32, %c0_i32, %c0_i32_0 : i32, i32, i32, i32
  }
  func.func @transform_2(%arg0: i32, %arg1: i32) -> (i32, i32, i32, i32) {
    %c0_i32 = arith.constant 0 : i32
    %c0_i32_0 = arith.constant 0 : i32
    %c0_i32_1 = arith.constant 0 : i32
    return %arg0, %arg1, %c0_i32, %c0_i32_0 : i32, i32, i32, i32
  }
}

</mosaic_0001>

<sc_bundles>
// kernel: kernel.5.cloned.1.call-start
scs
__scs_entry_jumppad:
0x0: {  	(pc) =	sbr.rel $0x88, $3  }
0x1: {  	(tag) =	ssettag $0x0;
	lr =	simm.s32 $0x1  }
0x2: {  	[smem:$0x3F9D] =	sst lr;
	_ =	strace $0xD0000000  }
0x3: {  	_ = 	snop  }
0x4: {  	_ = 	snop  }
0x5: {  	_ = 	snop  }
0x6: {  	_ = 	snop  }
0x7: {  	_ = 	snop  }
__scs_overlays_trampoline_lowered:
0x8: {  	[smem:$0x3FAC] =	sst s0  }
0x9: {  	[smem:$0x3FAD] =	sst s1  }
0xa: {  	[smem:$0x3FAE] =	sst s2  }
0xb: {  	[smem:$0x3FAF] =	sst s3  }
0xc: {  	[smem:$0x3FB0] =	sst s4  }
0xd: {  	[smem:$0x3FB1] =	sst s5  }
0xe: {  	[smem:$0x3FB2] =	sst s6  }
0xf: {  	[smem:$0x3FB3] =	sst s7  }
0x10: {  	[smem:$0x3FB4] =	sst s8  }
0x11: {  	[smem:$0x3FB5] =	sst s9;
	s0 =	simm.s32 @!p0 $0x0  }
0x12: {  	s1 =	sld [smem:$0x3F9B];
	s0 =	simm.s32 @p0 $0x1  }
0x13: {  	[smem:$0x3FB6] =	sst s0;
	s0 =	simm.s32 @!p1 $0x0  }
0x14: {  	s2 =	sld [smem:$0x3F9A];
	s0 =	simm.s32 @p1 $0x1  }
0x15: {  	[smem:$0x3FB7] =	sst s0;
	s0 =	simm.s32 @!p2 $0x0  }
0x16: {  	s3 =	sld [smem:$0x3FDB];
	s0 =	simm.s32 @p2 $0x1  }
0x17: {  	s4 =	simm.s32 $0x1BF5;
	[smem:$0x3FB9] =	sst s0  }
0x18: {  	s0 =	sld [smem:$0x3F9C];
	_ =	swait.ge [sflag:s4], $0x0  }
0x19: {  	s7 =	sld [smem:$0x3F9D]  }
0x1a: {  	s8 =	sadd.s32 $0xFFFFE003, lr  }
0x1b: {  	s9 =	sadd.s32 $0xFFFFFEF7, lr;
	s5 =	simm.s32 $0xFFFFFFFF;
	p2 =	slt.u32 s8, $0xFFFFF086  }
0x1c: {  	p1 =	slt.u32 s9, $0xF7A;
	s5 =	simm.s32 @!p2 $0x0  }
0x1d: {  	s5 =	simm.s32 @p1 $0x1;
	p0 =	seq.s32 s7, s2  }
0x1e: {  	s7 =	smul.u32 @!p0 $0xF7A, s2;
	p2 =	seq.s32 @!p0 s5, $0x0  }
0x1f: {  	s9 =	smul.u32 $0xF7A, s1;
	s8 =	simm.s32 @!p0 $0x1BF5;
	p2 =	por !p2, p0  }
0x20: {  	[sflag:s8] =	ssyncset.s32 @!p0 $0xFFFFF086;
	s6 =	sadd.s32 @!p0 s3, s7;
	s7 =	simm.s32 @!p0 $0x108  }
0x21: {  	s3 =	sadd.s32 s3, s9;
	s6 =	sadd.s32 @!p0 $0x88, s6;
	s7 =	simm.s32 @p2 $0x1082  }
0x22: {  	[simem:s7], [sflag:s8] =	dma.local @!p0 [hbm:s6], $0xF7A  }
0x23: {  	s9 =	sor.u32 $0xD0000000, s2;
	s6 =	simm.s32 $0x108;
	_ =	swait.ge @!p0 [sflag:s8], $0x0  }
0x24: {  	s3 =	sadd.s32 $0x88, s3;
	s6 =	simm.s32 @!p1 $0x1082;
	[sflag:s4] =	ssyncset.s32 $0xFFFFF086  }
0x25: {  	[simem:s6], [sflag:s4] =	dma.local [hbm:s3], $0xF7A  }
0x26: {  	[smem:$0x3F9D] =	sst s1;
	(tag) =	ssettag s2;
	_ =	strace s9  }
0x27: {  	s1 =	sld [smem:$0x3FAD]  }
0x28: {  	s2 =	sld [smem:$0x3FAE]  }
0x29: {  	s4 =	sld [smem:$0x3FB0]  }
0x2a: {  	p0 =	seq.s32 s5, $0x0;
	s5 =	sld [smem:$0x3FB1]  }
0x2b: {  	s6 =	sld [smem:$0x3FB2]  }
0x2c: {  	s7 =	sld [smem:$0x3FB3]  }
0x2d: {  	s3 =	simm.s32 $0x108;
	s8 =	sld [smem:$0x3FB4]  }
0x2e: {  	s3 =	simm.s32 @!p0 $0x1082;
	s9 =	sld [smem:$0x3FB5]  }
0x2f: {  	lr =	sadd.s32 s0, s3;
	s0 =	sld [smem:$0x3FAC]  }
0x30: {  	s3 =	sld [smem:$0x3FAF]  }
0x31: {  	[smem:$0x3FB8] =	sst s10  }
0x32: {  	s10 =	sld [smem:$0x3FB6];
	_ =	sdelay $0x3  }
0x33: {  	p0 =	seq.s32 s10, $0x1;
	s10 =	sld [smem:$0x3FB8];
	_ =	sdelay $0x3  }
0x34: {  	[smem:$0x3FB8] =	sst s10  }
0x35: {  	s10 =	sld [smem:$0x3FB7];
	_ =	sdelay $0x3  }
0x36: {  	p1 =	seq.s32 s10, $0x1;
	s10 =	sld [smem:$0x3FB8];
	_ =	sdelay $0x3  }
0x37: {  	[smem:$0x3FB8] =	sst s10  }
0x38: {  	s10 =	sld [smem:$0x3FB9]  }
0x39: {  	_ = 	snop;
	(pc) =	sbr.ind lr, $3  }
0x3a: {  	_ = 	snop  }
0x3b: {  	_ = 	snop  }
0x3c: {  	p2 =	seq.s32 s10, $0x1;
	s10 =	sld [smem:$0x3FB8]  }
0x3d: {  	_ =	shalt  }
0x3e: {  	_ =	shalt  }
0x3f: {  	_ =	shalt  }
0x40: {  	_ =	shalt  }
0x41: {  	_ =	shalt  }
0x42: {  	_ =	shalt  }
0x43: {  	_ =	shalt  }
0x44: {  	_ =	shalt  }
0x45: {  	_ =	shalt  }
0x46: {  	_ =	shalt  }
0x47: {  	_ =	shalt  }
0x48: {  	_ =	shalt  }
0x49: {  	_ =	shalt  }
0x4a: {  	_ =	shalt  }
0x4b: {  	_ =	shalt  }
0x4c: {  	_ =	shalt  }
0x4d: {  	_ =	shalt  }
0x4e: {  	_ =	shalt  }
0x4f: {  	_ =	shalt  }
0x50: {  	_ =	shalt  }
0x51: {  	_ =	shalt  }
0x52: {  	_ =	shalt  }
0x53: {  	_ =	shalt  }
0x54: {  	_ =	shalt  }
0x55: {  	_ =	shalt  }
0x56: {  	_ =	shalt  }
0x57: {  	_ =	shalt  }
0x58: {  	_ =	shalt  }
0x59: {  	_ =	shalt  }
0x5a: {  	_ =	shalt  }
0x5b: {  	_ =	shalt  }
0x5c: {  	_ =	shalt  }
0x5d: {  	_ =	shalt  }
0x5e: {  	_ =	shalt  }
0x5f: {  	_ =	shalt  }
0x60: {  	_ =	shalt  }
0x61: {  	_ =	shalt  }
0x62: {  	_ =	shalt  }
0x63: {  	_ =	shalt  }
0x64: {  	_ =	shalt  }
0x65: {  	_ =	shalt  }
0x66: {  	_ =	shalt  }
0x67: {  	_ =	shalt  }
0x68: {  	_ =	shalt  }
0x69: {  	_ =	shalt  }
0x6a: {  	_ =	shalt  }
0x6b: {  	_ =	shalt  }
0x6c: {  	_ =	shalt  }
0x6d: {  	_ =	shalt  }
0x6e: {  	_ =	shalt  }
0x6f: {  	_ =	shalt  }
0x70: {  	_ =	shalt  }
0x71: {  	_ =	shalt  }
0x72: {  	_ =	shalt  }
0x73: {  	_ =	shalt  }
0x74: {  	_ =	shalt  }
0x75: {  	_ =	shalt  }
0x76: {  	_ =	shalt  }
0x77: {  	_ =	shalt  }
0x78: {  	_ =	shalt  }
0x79: {  	_ =	shalt  }
0x7a: {  	_ =	shalt  }
0x7b: {  	_ =	shalt  }
0x7c: {  	_ =	shalt  }
0x7d: {  	_ =	shalt  }
0x7e: {  	_ =	shalt  }
0x7f: {  	_ =	shalt  }
0x80: {  	_ =	shalt  }
0x81: {  	_ =	shalt  }
0x82: {  	_ =	shalt  }
0x83: {  	_ =	shalt  }
0x84: {  	_ =	shalt  }
0x85: {  	_ =	shalt  }
0x86: {  	_ =	shalt  }
0x87: {  	_ =	shalt  }
.Lfunc_end0:
.L_simem_size_0:
called_computation_lowered:
.L_overlay_start_0:
0x88: {  	s2 =	sld [smem:$0x3FD9]  }
0x89: {  	s3 =	sld [smem:$0x3FFE];
	_ =	sdelay $0x1  }
0x8a: {  	s1 =	srdreg.scid  }
0x8b: {  	s0 =	sand.u32 $0x1, s1  }
0x8c: {  	s17 =	sshll.u32 s0, $0xA;
	s2 =	sadd.s32 s3, s2  }
0x8d: {  	s2 =	sadd.s32 s2, s17  }
0x8e: {  	[smem:$0x3FC4] =	sst s2  }
0x8f: {  	_ = 	snop  }
0x90: {  	s2 =	sld [smem:$0x3FD0];
	(tm) =	ssettm $0x1  }
0x91: {  	s18 =	sld [smem:$0x3FFB];
	_ =	sdelay $0x3  }
0x92: {  	_ =	strace s18  }
0x93: {  	s3 =	sld [smem:$0x3FFC];
	_ =	sdelay $0x3  }
0x94: {  	_ =	strace s3  }
0x95: {  	s3 =	sld [smem:$0x3FFD];
	_ =	sdelay $0x3  }
0x96: {  	_ =	strace s3  }
0x97: {  	_ =	strace $0x8FFFFFFF  }
0x98: {  	s19 =	sld [smem:$0x3FDB];
	_ =	sdelay $0x1  }
0x99: {  	s4 =	simm.s32 $_scs_section_size  }
0x9a: {  	s5 =	simm.s32 $_size__tile_overlayer_lowered;
	s6 =	simm.s32 $_tile_overlayer_lowered  }
0x9b: {  	s22 =	simm.s32 $0x1BFF;
	s21 =	sshll.u32 s6, $0x1;
	s3 =	sadd.s32 s4, s19  }
0x9c: {  	s7 =	simm.s32 $0x0;
	s20 =	sshll.u32 s5, $0x1;
	s5 =	sadd.s32 s21, s3  }
0x9d: {  	[timem:s7], [sflag:s22] =	dma.local [hbm:s5], s20  }
0x9e: {  	_ =	swait.ge [sflag:s22], s20  }
0x9f: {  	s4 =	ssub.s32 $0x0, s20;
	[sflag:s22] =	ssyncset.done $0x0  }
0xa0: {  	[sflag:s22] =	ssyncadd.s32 s4;
	_ =	sdelay $0x1  }
0xa1: {  	s23 =	simm.s32 $0x1B8B  }
0xa2: {  	_ =	swait.ge [sflag:s23], $0x1  }
0xa3: {  	[sflag:s23] =	ssyncset.done $0x0  }
0xa4: {  	s25 =	simm.s32 $0x1B8E;
	s24 =	sld [smem:$0x3FFE];
	[sflag:s23] =	ssyncadd.s32 $0xFFFFFFFF  }
0xa5: {  	s26 =	simm.s32 $execute0_lowered;
	[smem:$0x3FD2] =	sst s25  }
0xa6: {  	s5 =	sshll.u32 s26, $0x1;
	_ =	strace $0x80000046;
	[dreg:$0x1] =	wrdreg $0xFFFFFFFF  }
0xa7: {  	s28 =	simm.s32 $_size_execute0_lowered;
	s3 =	sadd.s32 s3, s5;
	[dreg:$0x0] =	wrdreg $0x0  }
0xa8: {  	s5 =	sshll.u32 s28, $0x1;
	[dreg:$0x2] =	wrdreg s3  }
0xa9: {  	[dreg:$0x3] =	wrdreg s5  }
0xaa: {  	[dreg:$0x4] =	wrdreg $0xC0  }
0xab: {  	_ =	task [dreg:s7], $0x5FFFF  }
0xac: {  	[dreg:$0x1] =	wrdreg $0xFFFFFFFF  }
0xad: {  	[dreg:$0x0] =	wrdreg $0x60  }
0xae: {  	[dreg:$0x2] =	wrdreg s24  }
0xaf: {  	[dreg:$0x3] =	wrdreg s2  }
0xb0: {  	[dreg:$0x4] =	wrdreg $0x9  }
0xb1: {  	_ =	task.clear_ibuf [dreg:s7], $0x5FFFF;
	_ =	strace $0x90000046  }
0xb2: {  	s29 =	simm.s32 $0x9;
	_ =	strace $0x80000048  }
0xb3: {  	_ =	swait.ge [sflag:s29], $0x1  }
0xb4: {  	[sflag:s29] =	ssyncadd.s32 $0xFFFFFFFF  }
0xb5: {  	_ =	strace $0x90000048  }
0xb6: {  	_ =	sfence  }
0xb7: {  	s30 =	sld [smem:$0x0];
	_ =	sdelay $0x2  }
0xb8: {  	s31 =	sshll.u32 s1, $0xD;
	s1 =	sshrl.u32 s1, $0x2  }
0xb9: {  	s3 =	sand.u32 $0x4000, s31;
	s1 =	sadd.s32 s1, s30  }
0xba: {  	s0 =	sor.u32 s3, s0;
	s1 =	sshll.u32 s1, $0x11  }
0xbb: {  	s0 =	sor.u32 s1, s0  }
0xbc: {  	s0 =	sadd.s32 $0x8F2B, s0  }
0xbd: {  	[sflag:s0] =	ssyncadd.remote.s32 $0x1  }
0xbe: {  	_ =	sfence.sel $0xFFFF  }
0xbf: {  	[dreg:$0x0] =	wrdreg $0xFFFFFFFF;
	(pc) =	sbr.abs _section_cstart, $3  }
0xc0: {  	[dreg:$0x1] =	wrdreg $0xFFFFFFFF  }
0xc1: {  	_ =	task.clear_ibuf [dreg:s7], $0x2FFFF;
	_ =	strace $0x9FFFFFFF  }
0xc2: {  	(tm) =	ssettm $0x7FFFFFFF  }
0xc3: {  	_ =	shalt  }
tec
execute0_lowered:
.L_overlay_start_1:
0x0: {  	(tag) =	ssettag $0x1  }
0x1: {  	s0 =	rddreg [dreg:$0x0]  }
0x2: {  	s1 =	rddreg [dreg:$0x1];
	s2 =	simm.s32 $0x0;
	s5 =	srdreg.scid  }
0x3: {  	s3 =	stileid.u32;
	s12 =	simm.s32 $0x80;
	s13 =	simm.s32 $0x400  }
0x4: {  	s14 =	simm.s32 $0x4000;
	s15 =	simm.s32 $0x1;
	s16 =	simm.s32 $0x2  }
0x5: {  	s17 =	simm.s32 $0x8000;
	s18 =	simm.s32 $0xC000;
	s19 =	simm.s32 $0x10000  }
0x6: {  	s20 =	simm.s32 $0x14000;
	s21 =	simm.s32 $0x3;
	s22 =	simm.s32 $0x4  }
0x7: {  	s23 =	simm.s32 $0x5;
	s24 =	simm.s32 $0x6;
	s25 =	simm.s32 $0x0  }
0x8: {  	[smem:$0x7FF] =	sst s2;
	s4 =	sadd.s32 $0xA00, s0;
	s6 =	sand.u32 $0x1, s5  }
0x9: {  	s5 =	sadd.s32 $0x1A0A00, s0;
	s8 =	sshll.u32 s3, $0x1;
	s10 =	sadd.s32 $0x1A2200, s0  }
.Ltmp0:
0xa: {  	s28 =	sshll.u32 s3, $0xC;
	_ =	strace $0x80000047;
	(pc) =	sbr.rel .LBB2_1-.Ltmp0, $4  }
0xb: {  	s7 =	ssub.s32 $0x2, s6;
	s6 =	sor.u32 s6, s8;
	s29 =	sand.u32 $0xC000, s28  }
0xc: {  	s9 =	sshrl.u32 s7, $0x1;
	s30 =	sshll.u32 s6, $0x4;
	s31 =	sadd.s32 s4, s29  }
0xd: {  	s11 =	ssub.s32 s7, s9;
	s8 =	sand.u32 $0x70, s30;
	s7 =	sadd.s32 $0x1A1200, s0  }
0xe: {  	v0 =	vimm.f32 $0.0e+00;
	s9 =	sadd.s32 $0x1A1A00, s0;
	s8 =	sadd.s32 s8, s31;
	s11 =	smax.u32 s11, $0x1  }
.LBB2_17:
0xf: {  	s25 =	sadd.s32 $0x1, s25  }
0x10: {  	p0 =	sne.s32 s25, s11  }
.Ltmp1:
0x11: {  	_ = 	snop;
	(pc) =	sbr.rel @!p0 .LBB2_18-.Ltmp1, $1  }
0x12: {  	_ =	sdelay $0x3  }
.LBB2_1:
0x13: {  	[tilespmem:s2], [sflag:$0x1] =	stream.linear.gather [hbm4b:s1+s2], $0x4000, $0x38;
	[tilespmem:$0x18000] =	vst v63  }
0x14: {  	s0 =	sand.u32 $0xF800, s2;
	s26 =	sand.u32 $0x380, s2  }
0x15: {  	s26 =	sor.u32 s26, s0  }
0x16: {  	[tilespmem:s14], [sflag:$0x2] =	stream.strided.gather [hbm4b:s8+s12], $0x4000, s13, s12, $0x38;
	[tilespmem:$0x18000] =	vst v63  }
0x17: {  	[tilespmem:s26+$0x8470] =	vst v0  }
0x18: {  	[tilespmem:s26+$0x8000] =	vst v0  }
0x19: {  	[tilespmem:s26+$0x8010] =	vst v0  }
0x1a: {  	[tilespmem:s26+$0x8020] =	vst v0  }
0x1b: {  	[tilespmem:s26+$0x8030] =	vst v0  }
0x1c: {  	[tilespmem:s26+$0x8040] =	vst v0  }
0x1d: {  	[tilespmem:s26+$0x8050] =	vst v0  }
0x1e: {  	[tilespmem:s26+$0x8060] =	vst v0  }
0x1f: {  	[tilespmem:s26+$0x8070] =	vst v0  }
0x20: {  	[tilespmem:s26+$0x8400] =	vst v0  }
0x21: {  	[tilespmem:s26+$0x8410] =	vst v0  }
0x22: {  	[tilespmem:s26+$0x8420] =	vst v0  }
0x23: {  	[tilespmem:s26+$0x8430] =	vst v0  }
0x24: {  	s31 =	simm.s32 $0x100;
	s28 =	simm.s32 $0x80;
	[tilespmem:s26+$0x8440] =	vst v0  }
0x25: {  	s29 =	simm.s32 $0x200;
	s30 =	sand.u32 $0xF800, s31;
	s0 =	sand.u32 $0x380, s28;
	[tilespmem:s26+$0x8450] =	vst v0  }
.LBB2_2:
0x26: {  	p0 =	sne.s32 s29, $0xFF00;
	[tilespmem:s26+$0x8460] =	vst v0;
	s26 =	sor.u32 s0, s30  }
0x27: {  	[tilespmem:s26+$0x8470] =	vst v0  }
0x28: {  	[tilespmem:s26+$0x8000] =	vst v0  }
0x29: {  	[tilespmem:s26+$0x8010] =	vst v0  }
0x2a: {  	[tilespmem:s26+$0x8020] =	vst v0  }
0x2b: {  	[tilespmem:s26+$0x8030] =	vst v0  }
0x2c: {  	[tilespmem:s26+$0x8040] =	vst v0  }
0x2d: {  	[tilespmem:s26+$0x8050] =	vst v0  }
0x2e: {  	[tilespmem:s26+$0x8060] =	vst v0  }
0x2f: {  	[tilespmem:s26+$0x8070] =	vst v0  }
0x30: {  	[tilespmem:s26+$0x8400] =	vst v0  }
.Ltmp2:
0x31: {  	[tilespmem:s26+$0x8410] =	vst v0;
	(pc) =	sbr.rel @p0 .LBB2_2-.Ltmp2, $4  }
0x32: {  	[tilespmem:s26+$0x8420] =	vst v0  }
0x33: {  	[tilespmem:s26+$0x8430] =	vst v0  }
0x34: {  	s28 =	sadd.s32 $0x80, s28;
	[tilespmem:s26+$0x8440] =	vst v0  }
0x35: {  	s30 =	sand.u32 $0xF800, s29;
	s29 =	sadd.s32 $0x100, s29;
	s0 =	sand.u32 $0x380, s28;
	[tilespmem:s26+$0x8450] =	vst v0  }
0x36: {  	s0 =	sor.u32 s0, s30;
	[tilespmem:s26+$0x8460] =	vst v0  }
0x37: {  	[tilespmem:s0+$0x8470] =	vst v0  }
0x38: {  	[tilespmem:s0+$0x8000] =	vst v0  }
0x39: {  	[tilespmem:s0+$0x8010] =	vst v0  }
0x3a: {  	[tilespmem:s0+$0x8020] =	vst v0  }
0x3b: {  	[tilespmem:s0+$0x8030] =	vst v0  }
0x3c: {  	[tilespmem:s0+$0x8040] =	vst v0  }
0x3d: {  	[tilespmem:s0+$0x8050] =	vst v0  }
0x3e: {  	[tilespmem:s0+$0x8060] =	vst v0  }
0x3f: {  	[tilespmem:s0+$0x8070] =	vst v0  }
0x40: {  	[tilespmem:s0+$0x8400] =	vst v0  }
0x41: {  	[tilespmem:s0+$0x8410] =	vst v0  }
.Ltmp3:
0x42: {  	[tilespmem:s0+$0x8420] =	vst v0;
	(pc) =	sbr.rel .LBB2_4-.Ltmp3, $4  }
0x43: {  	[tilespmem:s0+$0x8430] =	vst v0  }
0x44: {  	[tilespmem:s0+$0x8440] =	vst v0  }
0x45: {  	[tilespmem:s0+$0x8450] =	vst v0  }
0x46: {  	s26 =	simm.s32 $0x0;
	[tilespmem:s0+$0x8460] =	vst v0  }
.LBB2_16:
0x47: {  	s26 =	sadd.s32 $0x1, s26  }
0x48: {  	p0 =	sne.s32 s26, $0x19  }
.Ltmp4:
0x49: {  	_ = 	snop;
	(pc) =	sbr.rel @!p0 .LBB2_17-.Ltmp4, $1  }
0x4a: {  	_ =	sdelay $0x3  }
.LBB2_4:
0x4b: {  	s0 =	sshll.u32 s26, $0x5  }
0x4c: {  	s28 =	sor.u32 s6, s0  }
0x4d: {  	p0 =	sgt.u32 s28, $0x307  }
.Ltmp5:
0x4e: {  	_ = 	snop;
	(pc) =	sbr.rel @p0 .LBB2_16-.Ltmp5, $1  }
0x4f: {  	_ =	sdelay $0x3  }
0x50: {  	_ =	swait.ge [sflag:s15], $0x4000  }
0x51: {  	[sflag:s15] =	ssyncset.done $0x0  }
0x52: {  	[sflag:s15] =	ssyncadd.s32 $0xFFFFC000  }
0x53: {  	_ =	swait.ge [sflag:s16], $0x4000  }
0x54: {  	[sflag:s16] =	ssyncset.done $0x0  }
0x55: {  	s29 =	simm.s32 $0x0;
	[sflag:s16] =	ssyncadd.s32 $0xFFFFC000  }
.LBB2_6:
0x56: {  	s0 =	sshra.s32 s29, $0x2  }
0x57: {  	v1 =	vld [tilespmem:s0+$0x0];
	_ =	sdelay $0x4  }
0x58: {  	v2 =	vshll.u32 v1, $0x3  }
0x59: {  	v3 =	vshrl.u32 v1, $0x1;
	v1 =	vand.u32 $0xFFFFF87F, v1;
	v2 =	vand.u32 $0x400, v2  }
0x5a: {  	v3 =	vand.u32 $0x380, v3;
	v1 =	vor.u32 v2, v1  }
0x5b: {  	v2 =	vld [tilespmem:s0+$0x4000];
	v1 =	vor.u32 v3, v1;
	_ =	sdelay $0x4  }
0x5c: {  	[tilespmem:v1+s17+$0x0] =	vst.idx.add.f32.msk $0xffff, v2  }
0x5d: {  	v1 =	vld [tilespmem:s0+$0x10];
	_ =	sdelay $0x4  }
0x5e: {  	v2 =	vshll.u32 v1, $0x3  }
0x5f: {  	v3 =	vshrl.u32 v1, $0x1;
	v1 =	vand.u32 $0xFFFFF87F, v1;
	v2 =	vand.u32 $0x400, v2  }
0x60: {  	v3 =	vand.u32 $0x380, v3;
	v1 =	vor.u32 v2, v1  }
0x61: {  	v2 =	vld [tilespmem:s0+$0x4010];
	v1 =	vor.u32 v3, v1;
	_ =	sdelay $0x4  }
0x62: {  	[tilespmem:v1+s17+$0x0] =	vst.idx.add.f32.msk $0xffff, v2  }
0x63: {  	v1 =	vld [tilespmem:s0+$0x20];
	_ =	sdelay $0x4  }
0x64: {  	v2 =	vshll.u32 v1, $0x3  }
0x65: {  	v3 =	vshrl.u32 v1, $0x1;
	v1 =	vand.u32 $0xFFFFF87F, v1;
	v2 =	vand.u32 $0x400, v2  }
0x66: {  	v3 =	vand.u32 $0x380, v3;
	v1 =	vor.u32 v2, v1  }
0x67: {  	v2 =	vld [tilespmem:s0+$0x4020];
	v1 =	vor.u32 v3, v1;
	_ =	sdelay $0x4  }
0x68: {  	[tilespmem:v1+s17+$0x0] =	vst.idx.add.f32.msk $0xffff, v2  }
0x69: {  	v1 =	vld [tilespmem:s0+$0x30];
	_ =	sdelay $0x4  }
0x6a: {  	v2 =	vshll.u32 v1, $0x3  }
0x6b: {  	v3 =	vshrl.u32 v1, $0x1;
	v1 =	vand.u32 $0xFFFFF87F, v1;
	v2 =	vand.u32 $0x400, v2  }
0x6c: {  	v3 =	vand.u32 $0x380, v3;
	v1 =	vor.u32 v2, v1  }
0x6d: {  	p0 =	sne.s32 s29, $0xFF00;
	v2 =	vld [tilespmem:s0+$0x4030];
	v1 =	vor.u32 v3, v1  }
.Ltmp6:
0x6e: {  	_ = 	snop;
	(pc) =	sbr.rel @p0 .LBB2_6-.Ltmp6, $2  }
0x6f: {  	_ =	sdelay $0x2  }
0x70: {  	s29 =	sadd.s32 $0x100, s29;
	[tilespmem:v1+s17+$0x0] =	vst.idx.add.f32.msk $0xffff, v2  }
0x71: {  	p0 =	sgt.u32 s28, $0x2E7  }
0x72: {  	s0 =	sadd.s32 @!p0 $0x20, s28  }
0x73: {  	s29 =	sand.u32 @!p0 $0xFFFF, s0  }
0x74: {  	s29 =	smul.u32 @!p0 $0x51D1, s29;
	_ =	sdelay $0x1  }
0x75: {  	s29 =	sshrl.u32 @!p0 s29, $0x10  }
0x76: {  	s30 =	ssub.s32 @!p0 s0, s29  }
0x77: {  	s30 =	sand.u32 @!p0 $0xFFFE, s30  }
0x78: {  	s30 =	sshrl.u32 @!p0 s30, $0x1  }
0x79: {  	s29 =	sadd.s32 @!p0 s29, s30  }
0x7a: {  	s30 =	smul.u32 $0x51D1, s28;
	s29 =	sshrl.u32 @!p0 s29, $0x6  }
0x7b: {  	s31 =	sshll.u32 @!p0 s29, $0xB  }
0x7c: {  	s3 =	simm.s32 @!p0 $0x0;
	s30 =	sshrl.u32 s30, $0x10;
	s31 =	sadd.s32 @!p0 s1, s31  }
0x7d: {  	[tilespmem:s3], [sflag:$0x1] =	stream.linear.gather @!p0 [hbm4b:s31+s3], $0x4000, $0x38;
	[tilespmem:$0x18000] =	vst v63  }
0x7e: {  	s3 =	ssub.s32 s28, s30;
	s31 =	smul.u32 @!p0 $0x61, s29  }
0x7f: {  	s3 =	sand.u32 $0xFFFE, s3  }
0x80: {  	s3 =	sshrl.u32 s3, $0x1;
	s0 =	ssub.s32 @!p0 s0, s31  }
0x81: {  	s29 =	smul.u32 @!p0 $0x1A0000, s29;
	s3 =	sadd.s32 s30, s3;
	s30 =	sshll.u32 @!p0 s0, $0xE  }
0x82: {  	s0 =	sshll.u32 @!p0 s0, $0x7;
	s3 =	sand.u32 $0xFFC0, s3;
	s30 =	sand.u32 @!p0 $0x1E0000, s30  }
0x83: {  	s0 =	sand.u32 @!p0 $0x380, s0;
	s3 =	sshrl.u32 s3, $0x6;
	s29 =	sadd.s32 @!p0 s29, s30  }
0x84: {  	s30 =	smul.u32 $0x61, s3;
	s0 =	sor.u32 @!p0 s0, s29  }
0x85: {  	s31 =	simm.s32 @!p0 $0x4000;
	s29 =	simm.s32 @!p0 $0x80;
	s0 =	sshrl.u32 @!p0 s0, $0x3  }
0x86: {  	s28 =	ssub.s32 s28, s30;
	s0 =	sadd.s32 @!p0 s4, s0;
	s30 =	simm.s32 @!p0 $0x400  }
0x87: {  	[tilespmem:s31], [sflag:$0x2] =	stream.strided.gather @!p0 [hbm4b:s0+s29], $0x4000, s30, s29, $0x38;
	[tilespmem:$0x18000] =	vst v63  }
0x88: {  	s3 =	smul.u32 $0x610000, s3;
	s0 =	sand.u32 $0xFFFF, s28  }
0x89: {  	s0 =	sshll.u32 s0, $0x10  }
0x8a: {  	s0 =	sadd.s32 s0, s3  }
0x8b: {  	s0 =	sshrl.u32 s0, $0x3  }
0x8c: {  	s28 =	simm.s32 $0x0;
	s3 =	sadd.s32 s5, s0  }
0x8d: {  	[hbm4b:s3+s28] =	stream.linear.scatter [tilespmem:s17], [sflag:$0x3], $0x4000, $0x38;
	[tilespmem:$0x18000] =	vst v63  }
0x8e: {  	s3 =	sadd.s32 s0, s7  }
0x8f: {  	[hbm4b:s3+s28] =	stream.linear.scatter [tilespmem:s18], [sflag:$0x4], $0x4000, $0x38;
	[tilespmem:$0x18000] =	vst v63  }
0x90: {  	s3 =	sadd.s32 s0, s9  }
0x91: {  	[hbm4b:s3+s28] =	stream.linear.scatter [tilespmem:s19], [sflag:$0x5], $0x4000, $0x38;
	[tilespmem:$0x18000] =	vst v63  }
0x92: {  	s0 =	sadd.s32 s0, s10  }
0x93: {  	[hbm4b:s0+s28] =	stream.linear.scatter [tilespmem:s20], [sflag:$0x6], $0x4000, $0x38;
	[tilespmem:$0x18000] =	vst v63  }
0x94: {  	_ =	swait.ge [sflag:s21], $0x4000  }
0x95: {  	s3 =	sand.u32 $0x380, s28;
	s0 =	sand.u32 $0x3800, s28;
	[sflag:s21] =	ssyncset.done $0x0  }
0x96: {  	s28 =	sor.u32 s3, s0;
	[sflag:s21] =	ssyncadd.s32 $0xFFFFC000  }
0x97: {  	[tilespmem:s28+$0x8470] =	vst v0  }
0x98: {  	[tilespmem:s28+$0x8000] =	vst v0  }
0x99: {  	[tilespmem:s28+$0x8010] =	vst v0  }
0x9a: {  	[tilespmem:s28+$0x8020] =	vst v0  }
0x9b: {  	[tilespmem:s28+$0x8030] =	vst v0  }
0x9c: {  	[tilespmem:s28+$0x8040] =	vst v0  }
0x9d: {  	[tilespmem:s28+$0x8050] =	vst v0  }
0x9e: {  	[tilespmem:s28+$0x8060] =	vst v0  }
0x9f: {  	[tilespmem:s28+$0x8070] =	vst v0  }
0xa0: {  	[tilespmem:s28+$0x8400] =	vst v0  }
0xa1: {  	[tilespmem:s28+$0x8410] =	vst v0  }
0xa2: {  	[tilespmem:s28+$0x8420] =	vst v0  }
0xa3: {  	[tilespmem:s28+$0x8430] =	vst v0  }
0xa4: {  	s29 =	simm.s32 $0x80;
	s3 =	simm.s32 $0x100;
	[tilespmem:s28+$0x8440] =	vst v0  }
0xa5: {  	s30 =	simm.s32 $0x200;
	s0 =	sand.u32 $0x380, s29;
	s31 =	sand.u32 $0x3800, s3;
	[tilespmem:s28+$0x8450] =	vst v0  }
.LBB2_8:
0xa6: {  	p0 =	sne.s32 s30, $0x3F00;
	[tilespmem:s28+$0x8460] =	vst v0;
	s28 =	sor.u32 s0, s31  }
0xa7: {  	[tilespmem:s28+$0x8470] =	vst v0  }
0xa8: {  	[tilespmem:s28+$0x8000] =	vst v0  }
0xa9: {  	[tilespmem:s28+$0x8010] =	vst v0  }
0xaa: {  	[tilespmem:s28+$0x8020] =	vst v0  }
0xab: {  	[tilespmem:s28+$0x8030] =	vst v0  }
0xac: {  	[tilespmem:s28+$0x8040] =	vst v0  }
0xad: {  	[tilespmem:s28+$0x8050] =	vst v0  }
0xae: {  	[tilespmem:s28+$0x8060] =	vst v0  }
0xaf: {  	[tilespmem:s28+$0x8070] =	vst v0  }
0xb0: {  	[tilespmem:s28+$0x8400] =	vst v0  }
.Ltmp7:
0xb1: {  	[tilespmem:s28+$0x8410] =	vst v0;
	(pc) =	sbr.rel @p0 .LBB2_8-.Ltmp7, $4  }
0xb2: {  	[tilespmem:s28+$0x8420] =	vst v0  }
0xb3: {  	[tilespmem:s28+$0x8430] =	vst v0  }
0xb4: {  	s29 =	sadd.s32 $0x80, s29;
	[tilespmem:s28+$0x8440] =	vst v0  }
0xb5: {  	s31 =	sand.u32 $0x3800, s30;
	s30 =	sadd.s32 $0x100, s30;
	s0 =	sand.u32 $0x380, s29;
	[tilespmem:s28+$0x8450] =	vst v0  }
0xb6: {  	s0 =	sor.u32 s0, s31;
	[tilespmem:s28+$0x8460] =	vst v0  }
0xb7: {  	[tilespmem:s0+$0x8470] =	vst v0  }
0xb8: {  	[tilespmem:s0+$0x8000] =	vst v0  }
0xb9: {  	[tilespmem:s0+$0x8010] =	vst v0  }
0xba: {  	[tilespmem:s0+$0x8020] =	vst v0  }
0xbb: {  	[tilespmem:s0+$0x8030] =	vst v0  }
0xbc: {  	[tilespmem:s0+$0x8040] =	vst v0  }
0xbd: {  	[tilespmem:s0+$0x8050] =	vst v0  }
0xbe: {  	[tilespmem:s0+$0x8060] =	vst v0  }
0xbf: {  	[tilespmem:s0+$0x8070] =	vst v0  }
0xc0: {  	[tilespmem:s0+$0x8400] =	vst v0  }
0xc1: {  	[tilespmem:s0+$0x8410] =	vst v0  }
0xc2: {  	[tilespmem:s0+$0x8420] =	vst v0  }
0xc3: {  	[tilespmem:s0+$0x8430] =	vst v0  }
0xc4: {  	[tilespmem:s0+$0x8440] =	vst v0  }
0xc5: {  	[tilespmem:s0+$0x8450] =	vst v0  }
0xc6: {  	[tilespmem:s0+$0x8460] =	vst v0  }
0xc7: {  	s3 =	simm.s32 $0x2000;
	s0 =	simm.s32 $0x4000;
	_ =	swait.ge [sflag:s22], $0x4000  }
0xc8: {  	s3 =	sand.u32 $0x380, s3;
	s0 =	sand.u32 $0x7800, s0;
	[sflag:s22] =	ssyncset.done $0x0  }
0xc9: {  	s28 =	sor.u32 s3, s0;
	[sflag:s22] =	ssyncadd.s32 $0xFFFFC000  }
0xca: {  	[tilespmem:s28+$0x8470] =	vst v0  }
0xcb: {  	[tilespmem:s28+$0x8000] =	vst v0  }
0xcc: {  	[tilespmem:s28+$0x8010] =	vst v0  }
0xcd: {  	[tilespmem:s28+$0x8020] =	vst v0  }
0xce: {  	[tilespmem:s28+$0x8030] =	vst v0  }
0xcf: {  	[tilespmem:s28+$0x8040] =	vst v0  }
0xd0: {  	[tilespmem:s28+$0x8050] =	vst v0  }
0xd1: {  	[tilespmem:s28+$0x8060] =	vst v0  }
0xd2: {  	[tilespmem:s28+$0x8070] =	vst v0  }
0xd3: {  	[tilespmem:s28+$0x8400] =	vst v0  }
0xd4: {  	[tilespmem:s28+$0x8410] =	vst v0  }
0xd5: {  	[tilespmem:s28+$0x8420] =	vst v0  }
0xd6: {  	[tilespmem:s28+$0x8430] =	vst v0  }
0xd7: {  	s29 =	simm.s32 $0x2080;
	s3 =	simm.s32 $0x4100;
	[tilespmem:s28+$0x8440] =	vst v0  }
0xd8: {  	s30 =	simm.s32 $0x4200;
	s0 =	sand.u32 $0x380, s29;
	s31 =	sand.u32 $0x7800, s3;
	[tilespmem:s28+$0x8450] =	vst v0  }
.LBB2_10:
0xd9: {  	p0 =	sne.s32 s30, $0x7F00;
	[tilespmem:s28+$0x8460] =	vst v0;
	s28 =	sor.u32 s0, s31  }
0xda: {  	[tilespmem:s28+$0x8470] =	vst v0  }
0xdb: {  	[tilespmem:s28+$0x8000] =	vst v0  }
0xdc: {  	[tilespmem:s28+$0x8010] =	vst v0  }
0xdd: {  	[tilespmem:s28+$0x8020] =	vst v0  }
0xde: {  	[tilespmem:s28+$0x8030] =	vst v0  }
0xdf: {  	[tilespmem:s28+$0x8040] =	vst v0  }
0xe0: {  	[tilespmem:s28+$0x8050] =	vst v0  }
0xe1: {  	[tilespmem:s28+$0x8060] =	vst v0  }
0xe2: {  	[tilespmem:s28+$0x8070] =	vst v0  }
0xe3: {  	[tilespmem:s28+$0x8400] =	vst v0  }
.Ltmp8:
0xe4: {  	[tilespmem:s28+$0x8410] =	vst v0;
	(pc) =	sbr.rel @p0 .LBB2_10-.Ltmp8, $4  }
0xe5: {  	[tilespmem:s28+$0x8420] =	vst v0  }
0xe6: {  	[tilespmem:s28+$0x8430] =	vst v0  }
0xe7: {  	s29 =	sadd.s32 $0x80, s29;
	[tilespmem:s28+$0x8440] =	vst v0  }
0xe8: {  	s31 =	sand.u32 $0x7800, s30;
	s30 =	sadd.s32 $0x100, s30;
	s0 =	sand.u32 $0x380, s29;
	[tilespmem:s28+$0x8450] =	vst v0  }
0xe9: {  	s0 =	sor.u32 s0, s31;
	[tilespmem:s28+$0x8460] =	vst v0  }
0xea: {  	[tilespmem:s0+$0x8470] =	vst v0  }
0xeb: {  	[tilespmem:s0+$0x8000] =	vst v0  }
0xec: {  	[tilespmem:s0+$0x8010] =	vst v0  }
0xed: {  	[tilespmem:s0+$0x8020] =	vst v0  }
0xee: {  	[tilespmem:s0+$0x8030] =	vst v0  }
0xef: {  	[tilespmem:s0+$0x8040] =	vst v0  }
0xf0: {  	[tilespmem:s0+$0x8050] =	vst v0  }
0xf1: {  	[tilespmem:s0+$0x8060] =	vst v0  }
0xf2: {  	[tilespmem:s0+$0x8070] =	vst v0  }
0xf3: {  	[tilespmem:s0+$0x8400] =	vst v0  }
0xf4: {  	[tilespmem:s0+$0x8410] =	vst v0  }
0xf5: {  	[tilespmem:s0+$0x8420] =	vst v0  }
0xf6: {  	[tilespmem:s0+$0x8430] =	vst v0  }
0xf7: {  	[tilespmem:s0+$0x8440] =	vst v0  }
0xf8: {  	[tilespmem:s0+$0x8450] =	vst v0  }
0xf9: {  	[tilespmem:s0+$0x8460] =	vst v0  }
0xfa: {  	s3 =	simm.s32 $0x4000;
	s0 =	simm.s32 $0x8000;
	_ =	swait.ge [sflag:s23], $0x4000  }
0xfb: {  	s3 =	sand.u32 $0x380, s3;
	s0 =	sand.u32 $0xF800, s0;
	[sflag:s23] =	ssyncset.done $0x0  }
0xfc: {  	s28 =	sor.u32 s3, s0;
	[sflag:s23] =	ssyncadd.s32 $0xFFFFC000  }
0xfd: {  	[tilespmem:s28+$0x8470] =	vst v0  }
0xfe: {  	[tilespmem:s28+$0x8000] =	vst v0  }
0xff: {  	[tilespmem:s28+$0x8010] =	vst v0  }
0x100: {  	[tilespmem:s28+$0x8020] =	vst v0  }
0x101: {  	[tilespmem:s28+$0x8030] =	vst v0  }
0x102: {  	[tilespmem:s28+$0x8040] =	vst v0  }
0x103: {  	[tilespmem:s28+$0x8050] =	vst v0  }
0x104: {  	[tilespmem:s28+$0x8060] =	vst v0  }
0x105: {  	[tilespmem:s28+$0x8070] =	vst v0  }
0x106: {  	[tilespmem:s28+$0x8400] =	vst v0  }
0x107: {  	[tilespmem:s28+$0x8410] =	vst v0  }
0x108: {  	[tilespmem:s28+$0x8420] =	vst v0  }
0x109: {  	[tilespmem:s28+$0x8430] =	vst v0  }
0x10a: {  	s29 =	simm.s32 $0x4080;
	s3 =	simm.s32 $0x8100;
	[tilespmem:s28+$0x8440] =	vst v0  }
0x10b: {  	s30 =	simm.s32 $0x8200;
	s0 =	sand.u32 $0x380, s29;
	s31 =	sand.u32 $0xF800, s3;
	[tilespmem:s28+$0x8450] =	vst v0  }
.LBB2_12:
0x10c: {  	p0 =	sne.s32 s30, $0xBF00;
	[tilespmem:s28+$0x8460] =	vst v0;
	s28 =	sor.u32 s0, s31  }
0x10d: {  	[tilespmem:s28+$0x8470] =	vst v0  }
0x10e: {  	[tilespmem:s28+$0x8000] =	vst v0  }
0x10f: {  	[tilespmem:s28+$0x8010] =	vst v0  }
0x110: {  	[tilespmem:s28+$0x8020] =	vst v0  }
0x111: {  	[tilespmem:s28+$0x8030] =	vst v0  }
0x112: {  	[tilespmem:s28+$0x8040] =	vst v0  }
0x113: {  	[tilespmem:s28+$0x8050] =	vst v0  }
0x114: {  	[tilespmem:s28+$0x8060] =	vst v0  }
0x115: {  	[tilespmem:s28+$0x8070] =	vst v0  }
0x116: {  	[tilespmem:s28+$0x8400] =	vst v0  }
.Ltmp9:
0x117: {  	[tilespmem:s28+$0x8410] =	vst v0;
	(pc) =	sbr.rel @p0 .LBB2_12-.Ltmp9, $4  }
0x118: {  	[tilespmem:s28+$0x8420] =	vst v0  }
0x119: {  	[tilespmem:s28+$0x8430] =	vst v0  }
0x11a: {  	s29 =	sadd.s32 $0x80, s29;
	[tilespmem:s28+$0x8440] =	vst v0  }
0x11b: {  	s31 =	sand.u32 $0xF800, s30;
	s30 =	sadd.s32 $0x100, s30;
	s0 =	sand.u32 $0x380, s29;
	[tilespmem:s28+$0x8450] =	vst v0  }
0x11c: {  	s0 =	sor.u32 s0, s31;
	[tilespmem:s28+$0x8460] =	vst v0  }
0x11d: {  	[tilespmem:s0+$0x8470] =	vst v0  }
0x11e: {  	[tilespmem:s0+$0x8000] =	vst v0  }
0x11f: {  	[tilespmem:s0+$0x8010] =	vst v0  }
0x120: {  	[tilespmem:s0+$0x8020] =	vst v0  }
0x121: {  	[tilespmem:s0+$0x8030] =	vst v0  }
0x122: {  	[tilespmem:s0+$0x8040] =	vst v0  }
0x123: {  	[tilespmem:s0+$0x8050] =	vst v0  }
0x124: {  	[tilespmem:s0+$0x8060] =	vst v0  }
0x125: {  	[tilespmem:s0+$0x8070] =	vst v0  }
0x126: {  	[tilespmem:s0+$0x8400] =	vst v0  }
0x127: {  	[tilespmem:s0+$0x8410] =	vst v0  }
0x128: {  	[tilespmem:s0+$0x8420] =	vst v0  }
0x129: {  	[tilespmem:s0+$0x8430] =	vst v0  }
0x12a: {  	[tilespmem:s0+$0x8440] =	vst v0  }
0x12b: {  	[tilespmem:s0+$0x8450] =	vst v0  }
0x12c: {  	[tilespmem:s0+$0x8460] =	vst v0  }
0x12d: {  	s3 =	simm.s32 $0x6000;
	s0 =	simm.s32 $0xC000;
	_ =	swait.ge [sflag:s24], $0x4000  }
0x12e: {  	s3 =	sand.u32 $0x380, s3;
	s0 =	sand.u32 $0xF800, s0;
	[sflag:s24] =	ssyncset.done $0x0  }
0x12f: {  	s28 =	sor.u32 s3, s0;
	[sflag:s24] =	ssyncadd.s32 $0xFFFFC000  }
0x130: {  	[tilespmem:s28+$0x8470] =	vst v0  }
0x131: {  	[tilespmem:s28+$0x8000] =	vst v0  }
0x132: {  	[tilespmem:s28+$0x8010] =	vst v0  }
0x133: {  	[tilespmem:s28+$0x8020] =	vst v0  }
0x134: {  	[tilespmem:s28+$0x8030] =	vst v0  }
0x135: {  	[tilespmem:s28+$0x8040] =	vst v0  }
0x136: {  	[tilespmem:s28+$0x8050] =	vst v0  }
0x137: {  	[tilespmem:s28+$0x8060] =	vst v0  }
0x138: {  	[tilespmem:s28+$0x8070] =	vst v0  }
0x139: {  	[tilespmem:s28+$0x8400] =	vst v0  }
0x13a: {  	[tilespmem:s28+$0x8410] =	vst v0  }
0x13b: {  	[tilespmem:s28+$0x8420] =	vst v0  }
0x13c: {  	[tilespmem:s28+$0x8430] =	vst v0  }
0x13d: {  	s29 =	simm.s32 $0x6080;
	s3 =	simm.s32 $0xC100;
	[tilespmem:s28+$0x8440] =	vst v0  }
0x13e: {  	s30 =	simm.s32 $0xC200;
	s0 =	sand.u32 $0x380, s29;
	s31 =	sand.u32 $0xF800, s3;
	[tilespmem:s28+$0x8450] =	vst v0  }
.LBB2_14:
0x13f: {  	p0 =	sne.s32 s30, $0xFF00;
	[tilespmem:s28+$0x8460] =	vst v0;
	s28 =	sor.u32 s0, s31  }
0x140: {  	[tilespmem:s28+$0x8470] =	vst v0  }
0x141: {  	[tilespmem:s28+$0x8000] =	vst v0  }
0x142: {  	[tilespmem:s28+$0x8010] =	vst v0  }
0x143: {  	[tilespmem:s28+$0x8020] =	vst v0  }
0x144: {  	[tilespmem:s28+$0x8030] =	vst v0  }
0x145: {  	[tilespmem:s28+$0x8040] =	vst v0  }
0x146: {  	[tilespmem:s28+$0x8050] =	vst v0  }
0x147: {  	[tilespmem:s28+$0x8060] =	vst v0  }
0x148: {  	[tilespmem:s28+$0x8070] =	vst v0  }
0x149: {  	[tilespmem:s28+$0x8400] =	vst v0  }
.Ltmp10:
0x14a: {  	[tilespmem:s28+$0x8410] =	vst v0;
	(pc) =	sbr.rel @p0 .LBB2_14-.Ltmp10, $4  }
0x14b: {  	[tilespmem:s28+$0x8420] =	vst v0  }
0x14c: {  	[tilespmem:s28+$0x8430] =	vst v0  }
0x14d: {  	s29 =	sadd.s32 $0x80, s29;
	[tilespmem:s28+$0x8440] =	vst v0  }
0x14e: {  	s31 =	sand.u32 $0xF800, s30;
	s30 =	sadd.s32 $0x100, s30;
	s0 =	sand.u32 $0x380, s29;
	[tilespmem:s28+$0x8450] =	vst v0  }
0x14f: {  	s0 =	sor.u32 s0, s31;
	[tilespmem:s28+$0x8460] =	vst v0  }
0x150: {  	[tilespmem:s0+$0x8470] =	vst v0  }
0x151: {  	[tilespmem:s0+$0x8000] =	vst v0  }
0x152: {  	[tilespmem:s0+$0x8010] =	vst v0  }
0x153: {  	[tilespmem:s0+$0x8020] =	vst v0  }
0x154: {  	[tilespmem:s0+$0x8030] =	vst v0  }
0x155: {  	[tilespmem:s0+$0x8040] =	vst v0  }
0x156: {  	[tilespmem:s0+$0x8050] =	vst v0  }
0x157: {  	[tilespmem:s0+$0x8060] =	vst v0  }
0x158: {  	[tilespmem:s0+$0x8070] =	vst v0  }
0x159: {  	[tilespmem:s0+$0x8400] =	vst v0  }
0x15a: {  	[tilespmem:s0+$0x8410] =	vst v0  }
.Ltmp11:
0x15b: {  	[tilespmem:s0+$0x8420] =	vst v0;
	(pc) =	sbr.rel .LBB2_16-.Ltmp11, $4  }
0x15c: {  	[tilespmem:s0+$0x8430] =	vst v0  }
0x15d: {  	[tilespmem:s0+$0x8440] =	vst v0  }
0x15e: {  	[tilespmem:s0+$0x8450] =	vst v0  }
0x15f: {  	[tilespmem:s0+$0x8460] =	vst v0  }
.LBB2_18:
0x160: {  	_ =	sfence.sel $0x180000  }
0x161: {  	[bflag:$0x0] =	sbarrier.arrive $0xFFFF  }
0x162: {  	_ =	strace $0x90000047  }
0x163: {  	s0 =	stileid.u32;
	[bflag:$0x2] =	sbarrier.arrive $0xFFFF  }
0x164: {  	p0 =	sne.s32 s0, $0x0;
	s0 =	rddreg [dreg:$0x2]  }
0x165: {  	s0 =	sadd.s32 @!p0 $0x100000, s0  }
0x166: {  	[sflag:s0] =	ssyncadd.tile.s32 @!p0 $0x1;
	_ =	shalt  }
.Lfunc_end2:
_tile_overlayer_lowered:
.L_overlay_start_2:
0x167: {  	(tag) =	ssettag $0x2  }
0x168: {  	s0 =	rddreg [dreg:$0x0];
	s2 =	stileid.u32  }
0x169: {  	s1 =	rddreg [dreg:$0x1];
	p0 =	sne.s32 s2, $0x0  }
0x16a: {  	s3 =	rddreg [dreg:$0x2];
	[bflag:$0x3] =	sbarrier.arrive $0xFFFF;
	s2 =	simm.s32 @!p0 $0x1C07  }
0x16b: {  	[timem:s3], [sflag:s2] =	dma.local @!p0 [hbm:s0], s1  }
0x16c: {  	s0 =	simm.s32 @!p0 $0x7  }
0x16d: {  	_ =	swait.ge @!p0 [sflag:s0], s1  }
0x16e: {  	s1 =	ssub.s32 @!p0 $0x0, s1;
	[sflag:s0] =	ssyncset.done @!p0 $0x0  }
0x16f: {  	[sflag:s0] =	ssyncadd.s32 @!p0 s1  }
0x170: {  	[bflag:$0x3] =	sbarrier.arrive $0xFFFF  }
0x171: {  	_ =	shalt  }

</sc_bundles>
